<compile_context>
chip_gen: v7x
topology: tpu7x:2x2x1
jax: 0.10.2.dev20260603
libtpu: 0.0.44.dev20260713+nightly
codegen_flags: <defaults>
</compile_context>

<pallas_src>
import functools

import jax
import jax.numpy as jnp
from jax import lax
from jax.experimental import pallas as pl
from jax.experimental.pallas import tpu as pltpu
from jax.experimental.pallas import tpu_sc as plsc

_NW = 32
_CH = 128


def _gather_call(n_chunks, feat):
    epw = n_chunks * _CH
    bp = _NW * epw
    nb = 2
    mesh = plsc.VectorSubcoreMesh(core_axis_name="c", subcore_axis_name="s")

    @functools.partial(
        pl.kernel,
        mesh=mesh,
        out_type=jax.ShapeDtypeStruct((bp, feat), jnp.float32),
        scratch_types=(
            [pltpu.VMEM((n_chunks, _CH), jnp.int32)]
            + [pltpu.VMEM((_CH, feat), jnp.float32)] * nb
            + [pltpu.SemaphoreType.DMA] * nb
        ),
        compiler_params=pltpu.CompilerParams(use_tc_tiling_on_sc=False),
    )
    def gk(table_hbm, idx_hbm, out_hbm, idx_v, *rest):
        bufs = rest[:nb]
        gs = rest[nb:2 * nb]
        wid = lax.axis_index("s") * 2 + lax.axis_index("c")
        pltpu.sync_copy(idx_hbm.at[wid], idx_v)
        base = wid * epw

        def g(j, s):
            return pltpu.make_async_copy(
                table_hbm.at[idx_v.at[j]], bufs[s], gs[s])

        g(0, 0).start()

        def body(p, carry):
            j0 = 2 * p
            g(j0 + 1, 1).start()
            g(j0, 0).wait()
            pltpu.sync_copy(bufs[0], out_hbm.at[pl.ds(base + j0 * _CH, _CH)])

            @pl.when(p + 1 < n_chunks // 2)
            def _():
                g(j0 + 2, 0).start()

            g(j0 + 1, 1).wait()
            pltpu.sync_copy(
                bufs[1], out_hbm.at[pl.ds(base + (j0 + 1) * _CH, _CH)])
            return carry

        lax.fori_loop(0, n_chunks // 2, body, 0)

    return gk


def _embed(atom_fea, w, b, ba):
    n, orig = atom_fea.shape
    a = w.shape[1]
    nblk = n // ba

    def body(x_ref, w_ref, b_ref, o_ref):
        o_ref[...] = (
            jnp.dot(x_ref[...], w_ref[...], preferred_element_type=jnp.float32)
            + b_ref[...]
        )

    return pl.pallas_call(
        body,
        grid=(nblk,),
        in_specs=[
            pl.BlockSpec((ba, orig), lambda i: (i, 0)),
            pl.BlockSpec((orig, a), lambda i: (0, 0)),
            pl.BlockSpec((1, a), lambda i: (0, 0)),
        ],
        out_specs=pl.BlockSpec((ba, a), lambda i: (i, 0)),
        out_shape=jax.ShapeDtypeStruct((n, a), jnp.float32),
    )(atom_fea, w, b[None, :])


def _dgt(lhs, rhs):
    return lax.dot_general(
        lhs, rhs, (((0,), (0,)), ((), ())), preferred_element_type=jnp.float32
    )


def _stats(x, xgp, fp, m, ba):
    n, a = x.shape
    nbr = fp.shape[1] // 2
    pb = ba * m // 2
    nblk = n // ba
    g = m // 2

    def body(x_ref, xg_ref, f_ref, ss, sn, nn, nf, sf, ff, us, un, uf):
        @pl.when(pl.program_id(0) == 0)
        def _():
            for r in (ss, sn, nn, nf, sf, ff, us, un, uf):
                r[...] = jnp.zeros_like(r)

        xb = x_ref[...]
        xgb = xg_ref[...]
        fb = f_ref[...]
        x2b = jnp.concatenate([xb, xb], axis=1)
        xrep = jnp.broadcast_to(
            x2b[:, None, :], (ba, g, 2 * a)).reshape(pb, 2 * a)
        pnn = _dgt(xgb, xgb)
        pnf = _dgt(xgb, fb)
        pff = _dgt(fb, fb)
        psn = _dgt(xrep, xgb)
        psf = _dgt(xrep, fb)
        ss[...] += float(m) * _dgt(xb, xb)
        sn[...] += psn[:a, :a] + psn[a:, a:]
        nn[...] += pnn[:a, :a] + pnn[a:, a:]
        nf[...] += pnf[:a, :nbr] + pnf[a:, nbr:]
        sf[...] += psf[:a, :nbr] + psf[a:, nbr:]
        ff[...] += pff[:nbr, :nbr] + pff[nbr:, nbr:]
        us[...] += jnp.broadcast_to(
            float(m) * jnp.sum(xb, axis=0, keepdims=True), (8, a))
        unw = jnp.sum(xgb, axis=0, keepdims=True)
        un[...] += jnp.broadcast_to(unw[:, :a] + unw[:, a:], (8, a))
        ufw = jnp.sum(fb, axis=0, keepdims=True)
        uf[...] += jnp.broadcast_to(ufw[:, :nbr] + ufw[:, nbr:], (8, nbr))

    acc = lambda i: (0, 0)
    outs = pl.pallas_call(
        body,
        grid=(nblk,),
        in_specs=[
            pl.BlockSpec((ba, a), lambda i: (i, 0)),
            pl.BlockSpec((pb, 2 * a), lambda i: (i, 0)),
            pl.BlockSpec((pb, 2 * nbr), lambda i: (i, 0)),
        ],
        out_specs=[
            pl.BlockSpec((a, a), acc),
            pl.BlockSpec((a, a), acc),
            pl.BlockSpec((a, a), acc),
            pl.BlockSpec((a, nbr), acc),
            pl.BlockSpec((a, nbr), acc),
            pl.BlockSpec((nbr, nbr), acc),
            pl.BlockSpec((8, a), acc),
            pl.BlockSpec((8, a), acc),
            pl.BlockSpec((8, nbr), acc),
        ],
        out_shape=[
            jax.ShapeDtypeStruct((a, a), jnp.float32),
            jax.ShapeDtypeStruct((a, a), jnp.float32),
            jax.ShapeDtypeStruct((a, a), jnp.float32),
            jax.ShapeDtypeStruct((a, nbr), jnp.float32),
            jax.ShapeDtypeStruct((a, nbr), jnp.float32),
            jax.ShapeDtypeStruct((nbr, nbr), jnp.float32),
            jax.ShapeDtypeStruct((8, a), jnp.float32),
            jax.ShapeDtypeStruct((8, a), jnp.float32),
            jax.ShapeDtypeStruct((8, nbr), jnp.float32),
        ],
    )(x, xgp, fp)
    return outs


def _main(x, xgp, fp, wsf, wsc, wn2f, wn2c, wf2f, wf2c, bf, bc, m, ba):
    n, a = x.shape
    nbr = fp.shape[1] // 2
    pb = ba * m // 2
    nblk = n // ba
    g = m // 2

    def body(x_ref, xg_ref, f_ref, wsf_r, wsc_r, wnf_r, wnc_r, wff_r, wfc_r,
             bf_r, bc_r, y_ref, s_ref, q_ref):
        xb = x_ref[...]
        xgb = xg_ref[...]
        fb = f_ref[...]
        dot = lambda p, q: jnp.dot(p, q, preferred_element_type=jnp.float32)
        pf2 = dot(xb, wsf_r[...]) + bf_r[...]
        pc2 = dot(xb, wsc_r[...]) + bc_r[...]
        gf = (dot(xgb, wnf_r[...]) + dot(fb, wff_r[...])).reshape(ba, g, 2 * a) \
            + pf2[:, None, :]
        gc = (dot(xgb, wnc_r[...]) + dot(fb, wfc_r[...])).reshape(ba, g, 2 * a) \
            + pc2[:, None, :]
        prod = jax.nn.sigmoid(gf) * jnp.where(gc >= 0.0, gc, 0.01 * gc)
        z = jnp.sum(prod, axis=1)
        y = z[:, :a] + z[:, a:]
        y_ref[...] = y

        @pl.when(pl.program_id(0) == 0)
        def _():
            s_ref[...] = jnp.zeros_like(s_ref)
            q_ref[...] = jnp.zeros_like(q_ref)

        s_ref[...] += jnp.broadcast_to(jnp.sum(y, axis=0, keepdims=True), (8, a))
        q_ref[...] += jnp.broadcast_to(
            jnp.sum(y * y, axis=0, keepdims=True), (8, a))

    full = lambda i: (0, 0)
    return pl.pallas_call(
        body,
        grid=(nblk,),
        in_specs=[
            pl.BlockSpec((ba, a), lambda i: (i, 0)),
            pl.BlockSpec((pb, 2 * a), lambda i: (i, 0)),
            pl.BlockSpec((pb, 2 * nbr), lambda i: (i, 0)),
            pl.BlockSpec((a, 2 * a), full),
            pl.BlockSpec((a, 2 * a), full),
            pl.BlockSpec((2 * a, 2 * a), full),
            pl.BlockSpec((2 * a, 2 * a), full),
            pl.BlockSpec((2 * nbr, 2 * a), full),
            pl.BlockSpec((2 * nbr, 2 * a), full),
            pl.BlockSpec((1, 2 * a), full),
            pl.BlockSpec((1, 2 * a), full),
        ],
        out_specs=[
            pl.BlockSpec((ba, a), lambda i: (i, 0)),
            pl.BlockSpec((8, a), full),
            pl.BlockSpec((8, a), full),
        ],
        out_shape=[
            jax.ShapeDtypeStruct((n, a), jnp.float32),
            jax.ShapeDtypeStruct((8, a), jnp.float32),
            jax.ShapeDtypeStruct((8, a), jnp.float32),
        ],
    )(x, xgp, fp, wsf, wsc, wn2f, wn2c, wf2f, wf2c, bf, bc)


def _elem(x, y, s2, t2, ba):
    n, a = x.shape
    nblk = n // ba

    def body(x_ref, y_ref, s_ref, t_ref, o_ref):
        t = x_ref[...] + y_ref[...] * s_ref[...] + t_ref[...]
        o_ref[...] = jnp.where(t >= 0.0, t, 0.01 * t)

    return pl.pallas_call(
        body,
        grid=(nblk,),
        in_specs=[
            pl.BlockSpec((ba, a), lambda i: (i, 0)),
            pl.BlockSpec((ba, a), lambda i: (i, 0)),
            pl.BlockSpec((1, a), lambda i: (0, 0)),
            pl.BlockSpec((1, a), lambda i: (0, 0)),
        ],
        out_specs=pl.BlockSpec((ba, a), lambda i: (i, 0)),
        out_shape=jax.ShapeDtypeStruct((n, a), jnp.float32),
    )(x, y, s2, t2)


def kernel(atom_fea, nbr_fea, nbr_fea_idx, nbr_fea_offset, crystal_atom_idx,
           atom_pos, nbr_pos, atom_pos_idx, cells, fixed_atom_mask,
           atom_pos_final, W_emb, b_emb, W_full, b_full, bn1_g, bn1_b,
           bn2_g, bn2_b):
    n, _ = atom_fea.shape
    m = nbr_fea_idx.shape[1]
    nbr = nbr_fea.shape[2]
    a = W_emb.shape[1]
    nconv = W_full.shape[0]
    e = n * m
    r1 = float(e)
    eps = 1e-5

    if n % 1000 == 0:
        ba = 1000
    elif n % 400 == 0:
        ba = 400
    else:
        ba = 8
    fp = nbr_fea.reshape(e // 2, 2 * nbr)
    idx = nbr_fea_idx.astype(jnp.int32).reshape(-1)
    per = _NW * _CH
    n_chunks = ((-(-e // per)) + 1) // 2 * 2
    bp = n_chunks * per
    idx2 = jnp.pad(idx, (0, bp - e)).reshape(_NW, n_chunks, _CH)
    gather = _gather_call(n_chunks, a)

    def diag2(wsub):
        k = wsub.shape[0]
        z = jnp.zeros((2 * k, 2 * a), jnp.float32)
        return z.at[:k, :a].set(wsub).at[k:, a:].set(wsub)

    x = _embed(atom_fea, W_emb, b_emb, 2000 if n % 2000 == 0 else ba)

    for i in range(nconv):
        xgp = gather(x, idx2).reshape(bp // 2, 2 * a)
        ss, sn, nn, nf, sf, ff, us, un, uf = _stats(x, xgp, fp, m, ba)

        top = jnp.concatenate([ss, sn, sf], axis=1)
        mid = jnp.concatenate([sn.T, nn, nf], axis=1)
        bot = jnp.concatenate([sf.T, nf.T, ff], axis=1)
        s_mat = jnp.concatenate([top, mid, bot], axis=0)
        sums = jnp.concatenate([us[0], un[0], uf[0]])
        w = W_full[i]
        b = b_full[i]
        u = (sums @ w) / r1
        q = jnp.sum(w * (s_mat @ w), axis=0)
        var1 = q / r1 - u * u
        s1 = bn1_g[i] / jnp.sqrt(var1 + eps)
        t1 = bn1_b[i] - (u + b) * s1
        wp = w * s1[None, :]
        bpv = (b * s1 + t1)[None, :]

        dup = lambda v: jnp.concatenate([v, v], axis=1)
        y, ysum, ysq = _main(
            x, xgp, fp,
            dup(wp[:a, :a]), dup(wp[:a, a:]),
            diag2(wp[a:2 * a, :a]), diag2(wp[a:2 * a, a:]),
            diag2(wp[2 * a:, :a]), diag2(wp[2 * a:, a:]),
            dup(bpv[:, :a]), dup(bpv[:, a:]), m, ba)

        mean2 = ysum[0] / float(n)
        var2 = ysq[0] / float(n) - mean2 * mean2
        s2 = bn2_g[i] / jnp.sqrt(var2 + eps)
        t2 = bn2_b[i] - mean2 * s2
        x = _elem(x, y, s2[None, :], t2[None, :], ba)

    return x

# --- scband reference (transcript-rebuilt; emitter-appended) ---
"""Pipeline reference for scband-crystal-graph-conv-net-33741263078230 (READ-ONLY COPY).

The authoritative reference and input builder live on the scoring server;
editing this copy changes nothing except your own understanding.
"""

import jax, jax.numpy as jnp
import numpy as np

N = 50000
M = 16
ORIG = 92
A = 64
NBR = 16
NCONV = 3
NCRYS = 32


def leaky_relu(x):
    return jnp.where(x >= 0, x, 0.01 * x)


def batch_norm(x, gamma, beta, eps=1e-5):
    # training-mode BatchNorm1d: per-feature batch statistics
    mean = jnp.mean(x, axis=0)
    var = jnp.var(x, axis=0)
    return (x - mean) / jnp.sqrt(var + eps) * gamma + beta


def setup_inputs(seed: int = 0) -> dict:
    key = jax.random.key(seed)
    ks = jax.random.split(key, 20)
    inp = {}
    inp['atom_fea'] = jax.random.normal(ks[0], (N, ORIG), dtype=jnp.float32)
    inp['nbr_fea'] = jax.random.uniform(ks[1], (N, M, NBR), dtype=jnp.float32)
    inp['nbr_fea_idx'] = jax.random.randint(ks[2], (N, M), 0, N, dtype=jnp.int64 if jax.config.jax_enable_x64 else jnp.int32)
    inp['nbr_fea_offset'] = jax.random.normal(ks[3], (N, M, 3), dtype=jnp.float32)
    inp['crystal_atom_idx'] = jnp.sort(jax.random.randint(ks[4], (N,), 0, NCRYS))
    inp['atom_pos'] = jax.random.normal(ks[5], (N, 3), dtype=jnp.float32)
    inp['nbr_pos'] = jax.random.normal(ks[6], (N, M, 3), dtype=jnp.float32)
    inp['atom_pos_idx'] = jax.random.randint(ks[7], (N,), 0, N)
    inp['cells'] = jax.random.normal(ks[8], (NCRYS, 3, 3), dtype=jnp.float32)
    inp['fixed_atom_mask'] = jax.random.randint(ks[9], (N,), 0, 2)
    inp['atom_pos_final'] = jax.random.normal(ks[10], (N, 3), dtype=jnp.float32)
    # learned parameters
    inp['W_emb'] = jax.random.normal(ks[11], (ORIG, A), dtype=jnp.float32) * 0.05
    inp['b_emb'] = jnp.zeros((A,), dtype=jnp.float32)
    inp['W_full'] = jax.random.normal(ks[12], (NCONV, 2 * A + NBR, 2 * A), dtype=jnp.float32) * 0.05
    inp['b_full'] = jnp.zeros((NCONV, 2 * A), dtype=jnp.float32)
    inp['bn1_g'] = jnp.ones((NCONV, 2 * A), dtype=jnp.float32)
    inp['bn1_b'] = jnp.zeros((NCONV, 2 * A), dtype=jnp.float32)
    inp['bn2_g'] = jnp.ones((NCONV, A), dtype=jnp.float32)
    inp['bn2_b'] = jnp.zeros((NCONV, A), dtype=jnp.float32)
    return inp


def reference(atom_fea, nbr_fea, nbr_fea_idx, nbr_fea_offset, crystal_atom_idx,
              atom_pos, nbr_pos, atom_pos_idx, cells, fixed_atom_mask,
              atom_pos_final, W_emb, b_emb, W_full, b_full, bn1_g, bn1_b,
              bn2_g, bn2_b):
    # embedding: Linear(orig_atom_fea_len -> atom_fea_len)
    x = atom_fea @ W_emb + b_emb
    # n_conv ConvLayer passes (gather-heavy message passing)
    for i in range(NCONV):
        atom_nbr_fea = x[nbr_fea_idx, :]                         # (N, M, A) gather
        self_fea = jnp.broadcast_to(x[:, None, :], (N, M, A))    # expand
        total_nbr_fea = jnp.concatenate([self_fea, atom_nbr_fea, nbr_fea], axis=2)
        total_gated = total_nbr_fea @ W_full[i] + b_full[i]      # fc_full
        total_gated = batch_norm(total_gated.reshape(-1, 2 * A), bn1_g[i], bn1_b[i]).reshape(N, M, 2 * A)
        nbr_filter = total_gated[..., :A]
        nbr_core = total_gated[..., A:]
        nbr_filter = jax.nn.sigmoid(nbr_filter)
        nbr_core = leaky_relu(nbr_core)
        nbr_sumed = jnp.sum(nbr_filter * nbr_core, axis=1)
        nbr_sumed = batch_norm(nbr_sumed, bn2_g[i], bn2_b[i])
        x = leaky_relu(x + nbr_sumed)
    return x


if False:  # reference __main__ guard neutralized (emitter)
    out = reference(**setup_inputs())
    print(out.shape, out.dtype)

if __name__ == "__main__":
    import jax
    _d = setup_inputs()
    print(jax.jit(kernel)(*tuple(_d.values())))

</pallas_src>

<mosaic_0001>
#map = affine_map<(d0, d1) -> (0, 0)>
#map1 = affine_map<(d0, d1) -> (0, 0, 0)>
module attributes {stable_mosaic.version = 14 : i64} {
  func.func @gk(%arg0: i32, %arg1: i32, %arg2: memref<50000x64xf32, #tpu.memory_space<hbm>>, %arg3: memref<32x196x128xi32, #tpu.memory_space<hbm>>, %arg4: memref<802816x64xf32, #tpu.memory_space<hbm>>, %arg5: memref<196x128xi32, #tpu.memory_space<vmem>>, %arg6: memref<128x64xf32, #tpu.memory_space<vmem>>, %arg7: memref<128x64xf32, #tpu.memory_space<vmem>>, %arg8: memref<!tpu.dma_semaphore, #tpu.memory_space<semaphore_mem>>, %arg9: memref<!tpu.dma_semaphore, #tpu.memory_space<semaphore_mem>>) attributes {dimension_semantics = [#tpu.dimension_semantics<core_parallel>, #tpu.dimension_semantics<subcore_parallel>], iteration_bounds = array<i64: 2, 16>, scalar_prefetch = 0 : i64, scratch_operands = 5 : i64, tpu.core_type = #tpu.core_type<sc_vector_subcore>, window_params = [{transform_indices = #map}, {transform_indices = #map1}, {transform_indices = #map}]} {
    %mul3A = arith.constant 2 : i32
    %mul3A_0 = arith.muli %arg1, %mul3A : i32
    %add3A = arith.addi %mul3A_0, %arg0 : i32
    "tpu.region"() ({
      %run_scoped3A = tpu.sem_alloc : memref<!tpu.dma_semaphore, #tpu.memory_space<semaphore_mem>>
      %dma_start3A_14 = arith.constant 0 : i32
      %dma_start3A_15 = arith.constant 0 : i32
      %dma_start3A_16 = tpu.memref_slice %arg3[%add3A, %dma_start3A_14, %dma_start3A_15] : memref<32x196x128xi32, #tpu.memory_space<hbm>> -> memref<1x196x128xi32, #tpu.memory_space<hbm>>
      %dma_start3A_17 = tpu.memref_squeeze %dma_start3A_16 : memref<1x196x128xi32, #tpu.memory_space<hbm>> -> memref<196x128xi32, #tpu.memory_space<hbm>>
      %dma_start3A_18 = arith.constant 0 : i32
      %dma_start3A_19 = arith.constant 0 : i32
      %dma_start3A_20 = tpu.memref_slice %arg3[%add3A, %dma_start3A_18, %dma_start3A_19] : memref<32x196x128xi32, #tpu.memory_space<hbm>> -> memref<1x196x128xi32, #tpu.memory_space<hbm>>
      %dma_start3A_21 = tpu.memref_squeeze %dma_start3A_20 : memref<1x196x128xi32, #tpu.memory_space<hbm>> -> memref<196x128xi32, #tpu.memory_space<hbm>>
      tpu.enqueue_dma source(%dma_start3A_21 : memref<196x128xi32, #tpu.memory_space<hbm>>) target(%arg5 : memref<196x128xi32, #tpu.memory_space<vmem>>) target_semaphore(%run_scoped3A : memref<!tpu.dma_semaphore, #tpu.memory_space<semaphore_mem>>)
      %dma_wait3A = arith.constant 0 : i32
      %dma_wait3A_22 = arith.constant 0 : i32
      %dma_wait3A_23 = tpu.memref_slice %arg3[%add3A, %dma_wait3A, %dma_wait3A_22] : memref<32x196x128xi32, #tpu.memory_space<hbm>> -> memref<1x196x128xi32, #tpu.memory_space<hbm>>
      %dma_wait3A_24 = tpu.memref_squeeze %dma_wait3A_23 : memref<1x196x128xi32, #tpu.memory_space<hbm>> -> memref<196x128xi32, #tpu.memory_space<hbm>>
      %dma_wait3A_25 = arith.constant 0 : i32
      %dma_wait3A_26 = arith.constant 0 : i32
      %dma_wait3A_27 = tpu.memref_slice %arg3[%add3A, %dma_wait3A_25, %dma_wait3A_26] : memref<32x196x128xi32, #tpu.memory_space<hbm>> -> memref<1x196x128xi32, #tpu.memory_space<hbm>>
      %dma_wait3A_28 = tpu.memref_squeeze %dma_wait3A_27 : memref<1x196x128xi32, #tpu.memory_space<hbm>> -> memref<196x128xi32, #tpu.memory_space<hbm>>
      tpu.wait_dma2 semaphore(%run_scoped3A : memref<!tpu.dma_semaphore, #tpu.memory_space<semaphore_mem>>) src(%dma_wait3A_28 : memref<196x128xi32, #tpu.memory_space<hbm>>) dst(%arg5 : memref<196x128xi32, #tpu.memory_space<vmem>>)
      tpu.yield
    }) : () -> ()
    %mul3A_1 = arith.constant 25088 : i32
    %mul3A_2 = arith.muli %add3A, %mul3A_1 : i32
    %dma_start3A = arith.constant 0 : i32
    %dma_start3A_3 = arith.constant 0 : i32
    %dma_start3A_4 = tpu.memref_slice %arg5[%dma_start3A, %dma_start3A_3] : memref<196x128xi32, #tpu.memory_space<vmem>> -> memref<1x128xi32, #tpu.memory_space<vmem>>
    %dma_start3A_5 = tpu.memref_squeeze %dma_start3A_4 : memref<1x128xi32, #tpu.memory_space<vmem>> -> memref<128xi32, #tpu.memory_space<vmem>>
    %dma_start3A_6 = arith.constant 0 : i32
    %dma_start3A_7 = arith.constant 0 : i32
    %dma_start3A_8 = tpu.memref_slice %arg2[%dma_start3A_6, %dma_start3A_7] : memref<50000x64xf32, #tpu.memory_space<hbm>> -> memref<50000x64xf32, #tpu.memory_space<hbm>>
    tpu.enqueue_indirect_dma source(%dma_start3A_8 : memref<50000x64xf32, #tpu.memory_space<hbm>>) target(%arg6 : memref<128x64xf32, #tpu.memory_space<vmem>>) offsets(%dma_start3A_5 : memref<128xi32, #tpu.memory_space<vmem>>) semaphore(%arg8 : memref<!tpu.dma_semaphore, #tpu.memory_space<semaphore_mem>>)
    %scan3A = arith.constant 0 : i32
    %scan3A_9 = arith.constant 0 : i32
    %scan3A_10 = arith.constant 98 : i32
    %scan3A_11 = arith.addi %scan3A_9, %scan3A_10 : i32
    %scan3A_12 = arith.constant 1 : i32
    scf.for %scan3A_14 = %scan3A_9 to %scan3A_11 step %scan3A_12  : i32 {
      %mul3A_15 = arith.constant 2 : i32
      %mul3A_16 = arith.muli %mul3A_15, %scan3A_14 : i32
      %add3A_17 = arith.constant 1 : i32
      %add3A_18 = arith.addi %mul3A_16, %add3A_17 : i32
      %dma_start3A_19 = arith.constant 0 : i32
      %dma_start3A_20 = tpu.memref_slice %arg5[%add3A_18, %dma_start3A_19] : memref<196x128xi32, #tpu.memory_space<vmem>> -> memref<1x128xi32, #tpu.memory_space<vmem>>
      %dma_start3A_21 = tpu.memref_squeeze %dma_start3A_20 : memref<1x128xi32, #tpu.memory_space<vmem>> -> memref<128xi32, #tpu.memory_space<vmem>>
      %dma_start3A_22 = arith.constant 0 : i32
      %dma_start3A_23 = arith.constant 0 : i32
      %dma_start3A_24 = tpu.memref_slice %arg2[%dma_start3A_22, %dma_start3A_23] : memref<50000x64xf32, #tpu.memory_space<hbm>> -> memref<50000x64xf32, #tpu.memory_space<hbm>>
      tpu.enqueue_indirect_dma source(%dma_start3A_24 : memref<50000x64xf32, #tpu.memory_space<hbm>>) target(%arg7 : memref<128x64xf32, #tpu.memory_space<vmem>>) offsets(%dma_start3A_21 : memref<128xi32, #tpu.memory_space<vmem>>) semaphore(%arg9 : memref<!tpu.dma_semaphore, #tpu.memory_space<semaphore_mem>>)
      %dma_wait3A = arith.constant 0 : i32
      %dma_wait3A_25 = tpu.memref_slice %arg5[%mul3A_16, %dma_wait3A] : memref<196x128xi32, #tpu.memory_space<vmem>> -> memref<1x128xi32, #tpu.memory_space<vmem>>
      %dma_wait3A_26 = tpu.memref_squeeze %dma_wait3A_25 : memref<1x128xi32, #tpu.memory_space<vmem>> -> memref<128xi32, #tpu.memory_space<vmem>>
      %dma_wait3A_27 = arith.constant 0 : i32
      %dma_wait3A_28 = arith.constant 0 : i32
      %dma_wait3A_29 = tpu.memref_slice %arg2[%dma_wait3A_27, %dma_wait3A_28] : memref<50000x64xf32, #tpu.memory_space<hbm>> -> memref<50000x64xf32, #tpu.memory_space<hbm>>
      tpu.wait_indirect_dma semaphore(%arg8 : memref<!tpu.dma_semaphore, #tpu.memory_space<semaphore_mem>>) src(%dma_wait3A_29 : memref<50000x64xf32, #tpu.memory_space<hbm>>) dst(%arg6 : memref<128x64xf32, #tpu.memory_space<vmem>>)
      %mul3A_30 = arith.constant 128 : i32
      %mul3A_31 = arith.muli %mul3A_16, %mul3A_30 : i32
      %add3A_32 = arith.addi %mul3A_2, %mul3A_31 : i32
      "tpu.region"() ({
        %run_scoped3A = tpu.sem_alloc : memref<!tpu.dma_semaphore, #tpu.memory_space<semaphore_mem>>
        %dma_start3A_50 = arith.constant 0 : i32
        %dma_start3A_51 = tpu.memref_slice %arg4[%add3A_32, %dma_start3A_50] : memref<802816x64xf32, #tpu.memory_space<hbm>> -> memref<128x64xf32, #tpu.memory_space<hbm>>
        %dma_start3A_52 = arith.constant 0 : i32
        %dma_start3A_53 = tpu.memref_slice %arg4[%add3A_32, %dma_start3A_52] : memref<802816x64xf32, #tpu.memory_space<hbm>> -> memref<128x64xf32, #tpu.memory_space<hbm>>
        tpu.enqueue_dma source(%arg6 : memref<128x64xf32, #tpu.memory_space<vmem>>) target(%dma_start3A_53 : memref<128x64xf32, #tpu.memory_space<hbm>>) target_semaphore(%run_scoped3A : memref<!tpu.dma_semaphore, #tpu.memory_space<semaphore_mem>>)
        %dma_wait3A_54 = arith.constant 0 : i32
        %dma_wait3A_55 = tpu.memref_slice %arg4[%add3A_32, %dma_wait3A_54] : memref<802816x64xf32, #tpu.memory_space<hbm>> -> memref<128x64xf32, #tpu.memory_space<hbm>>
        %dma_wait3A_56 = arith.constant 0 : i32
        %dma_wait3A_57 = tpu.memref_slice %arg4[%add3A_32, %dma_wait3A_56] : memref<802816x64xf32, #tpu.memory_space<hbm>> -> memref<128x64xf32, #tpu.memory_space<hbm>>
        tpu.wait_dma2 semaphore(%run_scoped3A : memref<!tpu.dma_semaphore, #tpu.memory_space<semaphore_mem>>) src(%arg6 : memref<128x64xf32, #tpu.memory_space<vmem>>) dst(%dma_wait3A_57 : memref<128x64xf32, #tpu.memory_space<hbm>>)
        tpu.yield
      }) : () -> ()
      %add3A_33 = arith.constant 1 : i32
      %add3A_34 = arith.addi %scan3A_14, %add3A_33 : i32
      %lt3A = arith.constant 98 : i32
      %lt3A_35 = arith.cmpi slt, %add3A_34, %lt3A : i32
      %convert_element_type3A = arith.extui %lt3A_35 : i1 to i32
      %cond3A = arith.constant 0 : i32
      %cond3A_36 = arith.cmpi ne, %convert_element_type3A, %cond3A : i32
      scf.if %cond3A_36 {
        %add3A_50 = arith.constant 2 : i32
        %add3A_51 = arith.addi %mul3A_16, %add3A_50 : i32
        %dma_start3A_52 = arith.constant 0 : i32
        %dma_start3A_53 = tpu.memref_slice %arg5[%add3A_51, %dma_start3A_52] : memref<196x128xi32, #tpu.memory_space<vmem>> -> memref<1x128xi32, #tpu.memory_space<vmem>>
        %dma_start3A_54 = tpu.memref_squeeze %dma_start3A_53 : memref<1x128xi32, #tpu.memory_space<vmem>> -> memref<128xi32, #tpu.memory_space<vmem>>
        %dma_start3A_55 = arith.constant 0 : i32
        %dma_start3A_56 = arith.constant 0 : i32
        %dma_start3A_57 = tpu.memref_slice %arg2[%dma_start3A_55, %dma_start3A_56] : memref<50000x64xf32, #tpu.memory_space<hbm>> -> memref<50000x64xf32, #tpu.memory_space<hbm>>
        tpu.enqueue_indirect_dma source(%dma_start3A_57 : memref<50000x64xf32, #tpu.memory_space<hbm>>) target(%arg6 : memref<128x64xf32, #tpu.memory_space<vmem>>) offsets(%dma_start3A_54 : memref<128xi32, #tpu.memory_space<vmem>>) semaphore(%arg8 : memref<!tpu.dma_semaphore, #tpu.memory_space<semaphore_mem>>)
      } else {
      }
      %add3A_37 = arith.constant 1 : i32
      %add3A_38 = arith.addi %mul3A_16, %add3A_37 : i32
      %dma_wait3A_39 = arith.constant 0 : i32
      %dma_wait3A_40 = tpu.memref_slice %arg5[%add3A_38, %dma_wait3A_39] : memref<196x128xi32, #tpu.memory_space<vmem>> -> memref<1x128xi32, #tpu.memory_space<vmem>>
      %dma_wait3A_41 = tpu.memref_squeeze %dma_wait3A_40 : memref<1x128xi32, #tpu.memory_space<vmem>> -> memref<128xi32, #tpu.memory_space<vmem>>
      %dma_wait3A_42 = arith.constant 0 : i32
      %dma_wait3A_43 = arith.constant 0 : i32
      %dma_wait3A_44 = tpu.memref_slice %arg2[%dma_wait3A_42, %dma_wait3A_43] : memref<50000x64xf32, #tpu.memory_space<hbm>> -> memref<50000x64xf32, #tpu.memory_space<hbm>>
      tpu.wait_indirect_dma semaphore(%arg9 : memref<!tpu.dma_semaphore, #tpu.memory_space<semaphore_mem>>) src(%dma_wait3A_44 : memref<50000x64xf32, #tpu.memory_space<hbm>>) dst(%arg7 : memref<128x64xf32, #tpu.memory_space<vmem>>)
      %add3A_45 = arith.constant 1 : i32
      %add3A_46 = arith.addi %mul3A_16, %add3A_45 : i32
      %mul3A_47 = arith.constant 128 : i32
      %mul3A_48 = arith.muli %add3A_46, %mul3A_47 : i32
      %add3A_49 = arith.addi %mul3A_2, %mul3A_48 : i32
      "tpu.region"() ({
        %run_scoped3A = tpu.sem_alloc : memref<!tpu.dma_semaphore, #tpu.memory_space<semaphore_mem>>
        %dma_start3A_50 = arith.constant 0 : i32
        %dma_start3A_51 = tpu.memref_slice %arg4[%add3A_49, %dma_start3A_50] : memref<802816x64xf32, #tpu.memory_space<hbm>> -> memref<128x64xf32, #tpu.memory_space<hbm>>
        %dma_start3A_52 = arith.constant 0 : i32
        %dma_start3A_53 = tpu.memref_slice %arg4[%add3A_49, %dma_start3A_52] : memref<802816x64xf32, #tpu.memory_space<hbm>> -> memref<128x64xf32, #tpu.memory_space<hbm>>
        tpu.enqueue_dma source(%arg7 : memref<128x64xf32, #tpu.memory_space<vmem>>) target(%dma_start3A_53 : memref<128x64xf32, #tpu.memory_space<hbm>>) target_semaphore(%run_scoped3A : memref<!tpu.dma_semaphore, #tpu.memory_space<semaphore_mem>>)
        %dma_wait3A_54 = arith.constant 0 : i32
        %dma_wait3A_55 = tpu.memref_slice %arg4[%add3A_49, %dma_wait3A_54] : memref<802816x64xf32, #tpu.memory_space<hbm>> -> memref<128x64xf32, #tpu.memory_space<hbm>>
        %dma_wait3A_56 = arith.constant 0 : i32
        %dma_wait3A_57 = tpu.memref_slice %arg4[%add3A_49, %dma_wait3A_56] : memref<802816x64xf32, #tpu.memory_space<hbm>> -> memref<128x64xf32, #tpu.memory_space<hbm>>
        tpu.wait_dma2 semaphore(%run_scoped3A : memref<!tpu.dma_semaphore, #tpu.memory_space<semaphore_mem>>) src(%arg7 : memref<128x64xf32, #tpu.memory_space<vmem>>) dst(%dma_wait3A_57 : memref<128x64xf32, #tpu.memory_space<hbm>>)
        tpu.yield
      }) : () -> ()
    }
    %scan3A_13 = arith.constant 98 : i32
    return
  }
}

#map = affine_map<(d0, d1) -> (0, 0)>
#map1 = affine_map<(d0, d1) -> (0, 0, 0)>
module attributes {stable_mosaic.version = 14 : i64} {
  func.func @gk(%arg0: i32, %arg1: i32, %arg2: memref<50000x64xf32, #tpu.memory_space<hbm>>, %arg3: memref<32x196x128xi32, #tpu.memory_space<hbm>>, %arg4: memref<802816x64xf32, #tpu.memory_space<hbm>>, %arg5: memref<196x128xi32, #tpu.memory_space<vmem>>, %arg6: memref<128x64xf32, #tpu.memory_space<vmem>>, %arg7: memref<128x64xf32, #tpu.memory_space<vmem>>, %arg8: memref<!tpu.dma_semaphore, #tpu.memory_space<semaphore_mem>>, %arg9: memref<!tpu.dma_semaphore, #tpu.memory_space<semaphore_mem>>) attributes {dimension_semantics = [#tpu.dimension_semantics<core_parallel>, #tpu.dimension_semantics<subcore_parallel>], iteration_bounds = array<i64: 2, 16>, scalar_prefetch = 0 : i64, scratch_operands = 5 : i64, tpu.core_type = #tpu.core_type<sc_vector_subcore>, window_params = [{transform_indices = #map}, {transform_indices = #map1}, {transform_indices = #map}]} {
    %mul3A = arith.constant 2 : i32
    %mul3A_0 = arith.muli %arg1, %mul3A : i32
    %add3A = arith.addi %mul3A_0, %arg0 : i32
    "tpu.region"() ({
      %run_scoped3A = tpu.sem_alloc : memref<!tpu.dma_semaphore, #tpu.memory_space<semaphore_mem>>
      %dma_start3A_14 = arith.constant 0 : i32
      %dma_start3A_15 = arith.constant 0 : i32
      %dma_start3A_16 = tpu.memref_slice %arg3[%add3A, %dma_start3A_14, %dma_start3A_15] : memref<32x196x128xi32, #tpu.memory_space<hbm>> -> memref<1x196x128xi32, #tpu.memory_space<hbm>>
      %dma_start3A_17 = tpu.memref_squeeze %dma_start3A_16 : memref<1x196x128xi32, #tpu.memory_space<hbm>> -> memref<196x128xi32, #tpu.memory_space<hbm>>
      %dma_start3A_18 = arith.constant 0 : i32
      %dma_start3A_19 = arith.constant 0 : i32
      %dma_start3A_20 = tpu.memref_slice %arg3[%add3A, %dma_start3A_18, %dma_start3A_19] : memref<32x196x128xi32, #tpu.memory_space<hbm>> -> memref<1x196x128xi32, #tpu.memory_space<hbm>>
      %dma_start3A_21 = tpu.memref_squeeze %dma_start3A_20 : memref<1x196x128xi32, #tpu.memory_space<hbm>> -> memref<196x128xi32, #tpu.memory_space<hbm>>
      tpu.enqueue_dma source(%dma_start3A_21 : memref<196x128xi32, #tpu.memory_space<hbm>>) target(%arg5 : memref<196x128xi32, #tpu.memory_space<vmem>>) target_semaphore(%run_scoped3A : memref<!tpu.dma_semaphore, #tpu.memory_space<semaphore_mem>>)
      %dma_wait3A = arith.constant 0 : i32
      %dma_wait3A_22 = arith.constant 0 : i32
      %dma_wait3A_23 = tpu.memref_slice %arg3[%add3A, %dma_wait3A, %dma_wait3A_22] : memref<32x196x128xi32, #tpu.memory_space<hbm>> -> memref<1x196x128xi32, #tpu.memory_space<hbm>>
      %dma_wait3A_24 = tpu.memref_squeeze %dma_wait3A_23 : memref<1x196x128xi32, #tpu.memory_space<hbm>> -> memref<196x128xi32, #tpu.memory_space<hbm>>
      %dma_wait3A_25 = arith.constant 0 : i32
      %dma_wait3A_26 = arith.constant 0 : i32
      %dma_wait3A_27 = tpu.memref_slice %arg3[%add3A, %dma_wait3A_25, %dma_wait3A_26] : memref<32x196x128xi32, #tpu.memory_space<hbm>> -> memref<1x196x128xi32, #tpu.memory_space<hbm>>
      %dma_wait3A_28 = tpu.memref_squeeze %dma_wait3A_27 : memref<1x196x128xi32, #tpu.memory_space<hbm>> -> memref<196x128xi32, #tpu.memory_space<hbm>>
      tpu.wait_dma2 semaphore(%run_scoped3A : memref<!tpu.dma_semaphore, #tpu.memory_space<semaphore_mem>>) src(%dma_wait3A_28 : memref<196x128xi32, #tpu.memory_space<hbm>>) dst(%arg5 : memref<196x128xi32, #tpu.memory_space<vmem>>)
      tpu.yield
    }) : () -> ()
    %mul3A_1 = arith.constant 25088 : i32
    %mul3A_2 = arith.muli %add3A, %mul3A_1 : i32
    %dma_start3A = arith.constant 0 : i32
    %dma_start3A_3 = arith.constant 0 : i32
    %dma_start3A_4 = tpu.memref_slice %arg5[%dma_start3A, %dma_start3A_3] : memref<196x128xi32, #tpu.memory_space<vmem>> -> memref<1x128xi32, #tpu.memory_space<vmem>>
    %dma_start3A_5 = tpu.memref_squeeze %dma_start3A_4 : memref<1x128xi32, #tpu.memory_space<vmem>> -> memref<128xi32, #tpu.memory_space<vmem>>
    %dma_start3A_6 = arith.constant 0 : i32
    %dma_start3A_7 = arith.constant 0 : i32
    %dma_start3A_8 = tpu.memref_slice %arg2[%dma_start3A_6, %dma_start3A_7] : memref<50000x64xf32, #tpu.memory_space<hbm>> -> memref<50000x64xf32, #tpu.memory_space<hbm>>
    tpu.enqueue_indirect_dma source(%dma_start3A_8 : memref<50000x64xf32, #tpu.memory_space<hbm>>) target(%arg6 : memref<128x64xf32, #tpu.memory_space<vmem>>) offsets(%dma_start3A_5 : memref<128xi32, #tpu.memory_space<vmem>>) semaphore(%arg8 : memref<!tpu.dma_semaphore, #tpu.memory_space<semaphore_mem>>)
    %scan3A = arith.constant 0 : i32
    %scan3A_9 = arith.constant 0 : i32
    %scan3A_10 = arith.constant 98 : i32
    %scan3A_11 = arith.addi %scan3A_9, %scan3A_10 : i32
    %scan3A_12 = arith.constant 1 : i32
    scf.for %scan3A_14 = %scan3A_9 to %scan3A_11 step %scan3A_12  : i32 {
      %mul3A_15 = arith.constant 2 : i32
      %mul3A_16 = arith.muli %mul3A_15, %scan3A_14 : i32
      %add3A_17 = arith.constant 1 : i32
      %add3A_18 = arith.addi %mul3A_16, %add3A_17 : i32
      %dma_start3A_19 = arith.constant 0 : i32
      %dma_start3A_20 = tpu.memref_slice %arg5[%add3A_18, %dma_start3A_19] : memref<196x128xi32, #tpu.memory_space<vmem>> -> memref<1x128xi32, #tpu.memory_space<vmem>>
      %dma_start3A_21 = tpu.memref_squeeze %dma_start3A_20 : memref<1x128xi32, #tpu.memory_space<vmem>> -> memref<128xi32, #tpu.memory_space<vmem>>
      %dma_start3A_22 = arith.constant 0 : i32
      %dma_start3A_23 = arith.constant 0 : i32
      %dma_start3A_24 = tpu.memref_slice %arg2[%dma_start3A_22, %dma_start3A_23] : memref<50000x64xf32, #tpu.memory_space<hbm>> -> memref<50000x64xf32, #tpu.memory_space<hbm>>
      tpu.enqueue_indirect_dma source(%dma_start3A_24 : memref<50000x64xf32, #tpu.memory_space<hbm>>) target(%arg7 : memref<128x64xf32, #tpu.memory_space<vmem>>) offsets(%dma_start3A_21 : memref<128xi32, #tpu.memory_space<vmem>>) semaphore(%arg9 : memref<!tpu.dma_semaphore, #tpu.memory_space<semaphore_mem>>)
      %dma_wait3A = arith.constant 0 : i32
      %dma_wait3A_25 = tpu.memref_slice %arg5[%mul3A_16, %dma_wait3A] : memref<196x128xi32, #tpu.memory_space<vmem>> -> memref<1x128xi32, #tpu.memory_space<vmem>>
      %dma_wait3A_26 = tpu.memref_squeeze %dma_wait3A_25 : memref<1x128xi32, #tpu.memory_space<vmem>> -> memref<128xi32, #tpu.memory_space<vmem>>
      %dma_wait3A_27 = arith.constant 0 : i32
      %dma_wait3A_28 = arith.constant 0 : i32
      %dma_wait3A_29 = tpu.memref_slice %arg2[%dma_wait3A_27, %dma_wait3A_28] : memref<50000x64xf32, #tpu.memory_space<hbm>> -> memref<50000x64xf32, #tpu.memory_space<hbm>>
      tpu.wait_indirect_dma semaphore(%arg8 : memref<!tpu.dma_semaphore, #tpu.memory_space<semaphore_mem>>) src(%dma_wait3A_29 : memref<50000x64xf32, #tpu.memory_space<hbm>>) dst(%arg6 : memref<128x64xf32, #tpu.memory_space<vmem>>)
      %mul3A_30 = arith.constant 128 : i32
      %mul3A_31 = arith.muli %mul3A_16, %mul3A_30 : i32
      %add3A_32 = arith.addi %mul3A_2, %mul3A_31 : i32
      "tpu.region"() ({
        %run_scoped3A = tpu.sem_alloc : memref<!tpu.dma_semaphore, #tpu.memory_space<semaphore_mem>>
        %dma_start3A_50 = arith.constant 0 : i32
        %dma_start3A_51 = tpu.memref_slice %arg4[%add3A_32, %dma_start3A_50] : memref<802816x64xf32, #tpu.memory_space<hbm>> -> memref<128x64xf32, #tpu.memory_space<hbm>>
        %dma_start3A_52 = arith.constant 0 : i32
        %dma_start3A_53 = tpu.memref_slice %arg4[%add3A_32, %dma_start3A_52] : memref<802816x64xf32, #tpu.memory_space<hbm>> -> memref<128x64xf32, #tpu.memory_space<hbm>>
        tpu.enqueue_dma source(%arg6 : memref<128x64xf32, #tpu.memory_space<vmem>>) target(%dma_start3A_53 : memref<128x64xf32, #tpu.memory_space<hbm>>) target_semaphore(%run_scoped3A : memref<!tpu.dma_semaphore, #tpu.memory_space<semaphore_mem>>)
        %dma_wait3A_54 = arith.constant 0 : i32
        %dma_wait3A_55 = tpu.memref_slice %arg4[%add3A_32, %dma_wait3A_54] : memref<802816x64xf32, #tpu.memory_space<hbm>> -> memref<128x64xf32, #tpu.memory_space<hbm>>
        %dma_wait3A_56 = arith.constant 0 : i32
        %dma_wait3A_57 = tpu.memref_slice %arg4[%add3A_32, %dma_wait3A_56] : memref<802816x64xf32, #tpu.memory_space<hbm>> -> memref<128x64xf32, #tpu.memory_space<hbm>>
        tpu.wait_dma2 semaphore(%run_scoped3A : memref<!tpu.dma_semaphore, #tpu.memory_space<semaphore_mem>>) src(%arg6 : memref<128x64xf32, #tpu.memory_space<vmem>>) dst(%dma_wait3A_57 : memref<128x64xf32, #tpu.memory_space<hbm>>)
        tpu.yield
      }) : () -> ()
      %add3A_33 = arith.constant 1 : i32
      %add3A_34 = arith.addi %scan3A_14, %add3A_33 : i32
      %lt3A = arith.constant 98 : i32
      %lt3A_35 = arith.cmpi slt, %add3A_34, %lt3A : i32
      %convert_element_type3A = arith.extui %lt3A_35 : i1 to i32
      %cond3A = arith.constant 0 : i32
      %cond3A_36 = arith.cmpi ne, %convert_element_type3A, %cond3A : i32
      scf.if %cond3A_36 {
        %add3A_50 = arith.constant 2 : i32
        %add3A_51 = arith.addi %mul3A_16, %add3A_50 : i32
        %dma_start3A_52 = arith.constant 0 : i32
        %dma_start3A_53 = tpu.memref_slice %arg5[%add3A_51, %dma_start3A_52] : memref<196x128xi32, #tpu.memory_space<vmem>> -> memref<1x128xi32, #tpu.memory_space<vmem>>
        %dma_start3A_54 = tpu.memref_squeeze %dma_start3A_53 : memref<1x128xi32, #tpu.memory_space<vmem>> -> memref<128xi32, #tpu.memory_space<vmem>>
        %dma_start3A_55 = arith.constant 0 : i32
        %dma_start3A_56 = arith.constant 0 : i32
        %dma_start3A_57 = tpu.memref_slice %arg2[%dma_start3A_55, %dma_start3A_56] : memref<50000x64xf32, #tpu.memory_space<hbm>> -> memref<50000x64xf32, #tpu.memory_space<hbm>>
        tpu.enqueue_indirect_dma source(%dma_start3A_57 : memref<50000x64xf32, #tpu.memory_space<hbm>>) target(%arg6 : memref<128x64xf32, #tpu.memory_space<vmem>>) offsets(%dma_start3A_54 : memref<128xi32, #tpu.memory_space<vmem>>) semaphore(%arg8 : memref<!tpu.dma_semaphore, #tpu.memory_space<semaphore_mem>>)
      } else {
      }
      %add3A_37 = arith.constant 1 : i32
      %add3A_38 = arith.addi %mul3A_16, %add3A_37 : i32
      %dma_wait3A_39 = arith.constant 0 : i32
      %dma_wait3A_40 = tpu.memref_slice %arg5[%add3A_38, %dma_wait3A_39] : memref<196x128xi32, #tpu.memory_space<vmem>> -> memref<1x128xi32, #tpu.memory_space<vmem>>
      %dma_wait3A_41 = tpu.memref_squeeze %dma_wait3A_40 : memref<1x128xi32, #tpu.memory_space<vmem>> -> memref<128xi32, #tpu.memory_space<vmem>>
      %dma_wait3A_42 = arith.constant 0 : i32
      %dma_wait3A_43 = arith.constant 0 : i32
      %dma_wait3A_44 = tpu.memref_slice %arg2[%dma_wait3A_42, %dma_wait3A_43] : memref<50000x64xf32, #tpu.memory_space<hbm>> -> memref<50000x64xf32, #tpu.memory_space<hbm>>
      tpu.wait_indirect_dma semaphore(%arg9 : memref<!tpu.dma_semaphore, #tpu.memory_space<semaphore_mem>>) src(%dma_wait3A_44 : memref<50000x64xf32, #tpu.memory_space<hbm>>) dst(%arg7 : memref<128x64xf32, #tpu.memory_space<vmem>>)
      %add3A_45 = arith.constant 1 : i32
      %add3A_46 = arith.addi %mul3A_16, %add3A_45 : i32
      %mul3A_47 = arith.constant 128 : i32
      %mul3A_48 = arith.muli %add3A_46, %mul3A_47 : i32
      %add3A_49 = arith.addi %mul3A_2, %mul3A_48 : i32
      "tpu.region"() ({
        %run_scoped3A = tpu.sem_alloc : memref<!tpu.dma_semaphore, #tpu.memory_space<semaphore_mem>>
        %dma_start3A_50 = arith.constant 0 : i32
        %dma_start3A_51 = tpu.memref_slice %arg4[%add3A_49, %dma_start3A_50] : memref<802816x64xf32, #tpu.memory_space<hbm>> -> memref<128x64xf32, #tpu.memory_space<hbm>>
        %dma_start3A_52 = arith.constant 0 : i32
        %dma_start3A_53 = tpu.memref_slice %arg4[%add3A_49, %dma_start3A_52] : memref<802816x64xf32, #tpu.memory_space<hbm>> -> memref<128x64xf32, #tpu.memory_space<hbm>>
        tpu.enqueue_dma source(%arg7 : memref<128x64xf32, #tpu.memory_space<vmem>>) target(%dma_start3A_53 : memref<128x64xf32, #tpu.memory_space<hbm>>) target_semaphore(%run_scoped3A : memref<!tpu.dma_semaphore, #tpu.memory_space<semaphore_mem>>)
        %dma_wait3A_54 = arith.constant 0 : i32
        %dma_wait3A_55 = tpu.memref_slice %arg4[%add3A_49, %dma_wait3A_54] : memref<802816x64xf32, #tpu.memory_space<hbm>> -> memref<128x64xf32, #tpu.memory_space<hbm>>
        %dma_wait3A_56 = arith.constant 0 : i32
        %dma_wait3A_57 = tpu.memref_slice %arg4[%add3A_49, %dma_wait3A_56] : memref<802816x64xf32, #tpu.memory_space<hbm>> -> memref<128x64xf32, #tpu.memory_space<hbm>>
        tpu.wait_dma2 semaphore(%run_scoped3A : memref<!tpu.dma_semaphore, #tpu.memory_space<semaphore_mem>>) src(%arg7 : memref<128x64xf32, #tpu.memory_space<vmem>>) dst(%dma_wait3A_57 : memref<128x64xf32, #tpu.memory_space<hbm>>)
        tpu.yield
      }) : () -> ()
    }
    %scan3A_13 = arith.constant 98 : i32
    return
  }
}

#map = affine_map<(d0, d1) -> (0, 0)>
#map1 = affine_map<(d0, d1) -> (0, 0, 0)>
module attributes {stable_mosaic.version = 14 : i64} {
  func.func @gk(%arg0: i32, %arg1: i32, %arg2: memref<50000x64xf32, #tpu.memory_space<hbm>>, %arg3: memref<32x196x128xi32, #tpu.memory_space<hbm>>, %arg4: memref<802816x64xf32, #tpu.memory_space<hbm>>, %arg5: memref<196x128xi32, #tpu.memory_space<vmem>>, %arg6: memref<128x64xf32, #tpu.memory_space<vmem>>, %arg7: memref<128x64xf32, #tpu.memory_space<vmem>>, %arg8: memref<!tpu.dma_semaphore, #tpu.memory_space<semaphore_mem>>, %arg9: memref<!tpu.dma_semaphore, #tpu.memory_space<semaphore_mem>>) attributes {dimension_semantics = [#tpu.dimension_semantics<core_parallel>, #tpu.dimension_semantics<subcore_parallel>], iteration_bounds = array<i64: 2, 16>, scalar_prefetch = 0 : i64, scratch_operands = 5 : i64, tpu.core_type = #tpu.core_type<sc_vector_subcore>, window_params = [{transform_indices = #map}, {transform_indices = #map1}, {transform_indices = #map}]} {
    %mul3A = arith.constant 2 : i32
    %mul3A_0 = arith.muli %arg1, %mul3A : i32
    %add3A = arith.addi %mul3A_0, %arg0 : i32
    "tpu.region"() ({
      %run_scoped3A = tpu.sem_alloc : memref<!tpu.dma_semaphore, #tpu.memory_space<semaphore_mem>>
      %dma_start3A_14 = arith.constant 0 : i32
      %dma_start3A_15 = arith.constant 0 : i32
      %dma_start3A_16 = tpu.memref_slice %arg3[%add3A, %dma_start3A_14, %dma_start3A_15] : memref<32x196x128xi32, #tpu.memory_space<hbm>> -> memref<1x196x128xi32, #tpu.memory_space<hbm>>
      %dma_start3A_17 = tpu.memref_squeeze %dma_start3A_16 : memref<1x196x128xi32, #tpu.memory_space<hbm>> -> memref<196x128xi32, #tpu.memory_space<hbm>>
      %dma_start3A_18 = arith.constant 0 : i32
      %dma_start3A_19 = arith.constant 0 : i32
      %dma_start3A_20 = tpu.memref_slice %arg3[%add3A, %dma_start3A_18, %dma_start3A_19] : memref<32x196x128xi32, #tpu.memory_space<hbm>> -> memref<1x196x128xi32, #tpu.memory_space<hbm>>
      %dma_start3A_21 = tpu.memref_squeeze %dma_start3A_20 : memref<1x196x128xi32, #tpu.memory_space<hbm>> -> memref<196x128xi32, #tpu.memory_space<hbm>>
      tpu.enqueue_dma source(%dma_start3A_21 : memref<196x128xi32, #tpu.memory_space<hbm>>) target(%arg5 : memref<196x128xi32, #tpu.memory_space<vmem>>) target_semaphore(%run_scoped3A : memref<!tpu.dma_semaphore, #tpu.memory_space<semaphore_mem>>)
      %dma_wait3A = arith.constant 0 : i32
      %dma_wait3A_22 = arith.constant 0 : i32
      %dma_wait3A_23 = tpu.memref_slice %arg3[%add3A, %dma_wait3A, %dma_wait3A_22] : memref<32x196x128xi32, #tpu.memory_space<hbm>> -> memref<1x196x128xi32, #tpu.memory_space<hbm>>
      %dma_wait3A_24 = tpu.memref_squeeze %dma_wait3A_23 : memref<1x196x128xi32, #tpu.memory_space<hbm>> -> memref<196x128xi32, #tpu.memory_space<hbm>>
      %dma_wait3A_25 = arith.constant 0 : i32
      %dma_wait3A_26 = arith.constant 0 : i32
      %dma_wait3A_27 = tpu.memref_slice %arg3[%add3A, %dma_wait3A_25, %dma_wait3A_26] : memref<32x196x128xi32, #tpu.memory_space<hbm>> -> memref<1x196x128xi32, #tpu.memory_space<hbm>>
      %dma_wait3A_28 = tpu.memref_squeeze %dma_wait3A_27 : memref<1x196x128xi32, #tpu.memory_space<hbm>> -> memref<196x128xi32, #tpu.memory_space<hbm>>
      tpu.wait_dma2 semaphore(%run_scoped3A : memref<!tpu.dma_semaphore, #tpu.memory_space<semaphore_mem>>) src(%dma_wait3A_28 : memref<196x128xi32, #tpu.memory_space<hbm>>) dst(%arg5 : memref<196x128xi32, #tpu.memory_space<vmem>>)
      tpu.yield
    }) : () -> ()
    %mul3A_1 = arith.constant 25088 : i32
    %mul3A_2 = arith.muli %add3A, %mul3A_1 : i32
    %dma_start3A = arith.constant 0 : i32
    %dma_start3A_3 = arith.constant 0 : i32
    %dma_start3A_4 = tpu.memref_slice %arg5[%dma_start3A, %dma_start3A_3] : memref<196x128xi32, #tpu.memory_space<vmem>> -> memref<1x128xi32, #tpu.memory_space<vmem>>
    %dma_start3A_5 = tpu.memref_squeeze %dma_start3A_4 : memref<1x128xi32, #tpu.memory_space<vmem>> -> memref<128xi32, #tpu.memory_space<vmem>>
    %dma_start3A_6 = arith.constant 0 : i32
    %dma_start3A_7 = arith.constant 0 : i32
    %dma_start3A_8 = tpu.memref_slice %arg2[%dma_start3A_6, %dma_start3A_7] : memref<50000x64xf32, #tpu.memory_space<hbm>> -> memref<50000x64xf32, #tpu.memory_space<hbm>>
    tpu.enqueue_indirect_dma source(%dma_start3A_8 : memref<50000x64xf32, #tpu.memory_space<hbm>>) target(%arg6 : memref<128x64xf32, #tpu.memory_space<vmem>>) offsets(%dma_start3A_5 : memref<128xi32, #tpu.memory_space<vmem>>) semaphore(%arg8 : memref<!tpu.dma_semaphore, #tpu.memory_space<semaphore_mem>>)
    %scan3A = arith.constant 0 : i32
    %scan3A_9 = arith.constant 0 : i32
    %scan3A_10 = arith.constant 98 : i32
    %scan3A_11 = arith.addi %scan3A_9, %scan3A_10 : i32
    %scan3A_12 = arith.constant 1 : i32
    scf.for %scan3A_14 = %scan3A_9 to %scan3A_11 step %scan3A_12  : i32 {
      %mul3A_15 = arith.constant 2 : i32
      %mul3A_16 = arith.muli %mul3A_15, %scan3A_14 : i32
      %add3A_17 = arith.constant 1 : i32
      %add3A_18 = arith.addi %mul3A_16, %add3A_17 : i32
      %dma_start3A_19 = arith.constant 0 : i32
      %dma_start3A_20 = tpu.memref_slice %arg5[%add3A_18, %dma_start3A_19] : memref<196x128xi32, #tpu.memory_space<vmem>> -> memref<1x128xi32, #tpu.memory_space<vmem>>
      %dma_start3A_21 = tpu.memref_squeeze %dma_start3A_20 : memref<1x128xi32, #tpu.memory_space<vmem>> -> memref<128xi32, #tpu.memory_space<vmem>>
      %dma_start3A_22 = arith.constant 0 : i32
      %dma_start3A_23 = arith.constant 0 : i32
      %dma_start3A_24 = tpu.memref_slice %arg2[%dma_start3A_22, %dma_start3A_23] : memref<50000x64xf32, #tpu.memory_space<hbm>> -> memref<50000x64xf32, #tpu.memory_space<hbm>>
      tpu.enqueue_indirect_dma source(%dma_start3A_24 : memref<50000x64xf32, #tpu.memory_space<hbm>>) target(%arg7 : memref<128x64xf32, #tpu.memory_space<vmem>>) offsets(%dma_start3A_21 : memref<128xi32, #tpu.memory_space<vmem>>) semaphore(%arg9 : memref<!tpu.dma_semaphore, #tpu.memory_space<semaphore_mem>>)
      %dma_wait3A = arith.constant 0 : i32
      %dma_wait3A_25 = tpu.memref_slice %arg5[%mul3A_16, %dma_wait3A] : memref<196x128xi32, #tpu.memory_space<vmem>> -> memref<1x128xi32, #tpu.memory_space<vmem>>
      %dma_wait3A_26 = tpu.memref_squeeze %dma_wait3A_25 : memref<1x128xi32, #tpu.memory_space<vmem>> -> memref<128xi32, #tpu.memory_space<vmem>>
      %dma_wait3A_27 = arith.constant 0 : i32
      %dma_wait3A_28 = arith.constant 0 : i32
      %dma_wait3A_29 = tpu.memref_slice %arg2[%dma_wait3A_27, %dma_wait3A_28] : memref<50000x64xf32, #tpu.memory_space<hbm>> -> memref<50000x64xf32, #tpu.memory_space<hbm>>
      tpu.wait_indirect_dma semaphore(%arg8 : memref<!tpu.dma_semaphore, #tpu.memory_space<semaphore_mem>>) src(%dma_wait3A_29 : memref<50000x64xf32, #tpu.memory_space<hbm>>) dst(%arg6 : memref<128x64xf32, #tpu.memory_space<vmem>>)
      %mul3A_30 = arith.constant 128 : i32
      %mul3A_31 = arith.muli %mul3A_16, %mul3A_30 : i32
      %add3A_32 = arith.addi %mul3A_2, %mul3A_31 : i32
      "tpu.region"() ({
        %run_scoped3A = tpu.sem_alloc : memref<!tpu.dma_semaphore, #tpu.memory_space<semaphore_mem>>
        %dma_start3A_50 = arith.constant 0 : i32
        %dma_start3A_51 = tpu.memref_slice %arg4[%add3A_32, %dma_start3A_50] : memref<802816x64xf32, #tpu.memory_space<hbm>> -> memref<128x64xf32, #tpu.memory_space<hbm>>
        %dma_start3A_52 = arith.constant 0 : i32
        %dma_start3A_53 = tpu.memref_slice %arg4[%add3A_32, %dma_start3A_52] : memref<802816x64xf32, #tpu.memory_space<hbm>> -> memref<128x64xf32, #tpu.memory_space<hbm>>
        tpu.enqueue_dma source(%arg6 : memref<128x64xf32, #tpu.memory_space<vmem>>) target(%dma_start3A_53 : memref<128x64xf32, #tpu.memory_space<hbm>>) target_semaphore(%run_scoped3A : memref<!tpu.dma_semaphore, #tpu.memory_space<semaphore_mem>>)
        %dma_wait3A_54 = arith.constant 0 : i32
        %dma_wait3A_55 = tpu.memref_slice %arg4[%add3A_32, %dma_wait3A_54] : memref<802816x64xf32, #tpu.memory_space<hbm>> -> memref<128x64xf32, #tpu.memory_space<hbm>>
        %dma_wait3A_56 = arith.constant 0 : i32
        %dma_wait3A_57 = tpu.memref_slice %arg4[%add3A_32, %dma_wait3A_56] : memref<802816x64xf32, #tpu.memory_space<hbm>> -> memref<128x64xf32, #tpu.memory_space<hbm>>
        tpu.wait_dma2 semaphore(%run_scoped3A : memref<!tpu.dma_semaphore, #tpu.memory_space<semaphore_mem>>) src(%arg6 : memref<128x64xf32, #tpu.memory_space<vmem>>) dst(%dma_wait3A_57 : memref<128x64xf32, #tpu.memory_space<hbm>>)
        tpu.yield
      }) : () -> ()
      %add3A_33 = arith.constant 1 : i32
      %add3A_34 = arith.addi %scan3A_14, %add3A_33 : i32
      %lt3A = arith.constant 98 : i32
      %lt3A_35 = arith.cmpi slt, %add3A_34, %lt3A : i32
      %convert_element_type3A = arith.extui %lt3A_35 : i1 to i32
      %cond3A = arith.constant 0 : i32
      %cond3A_36 = arith.cmpi ne, %convert_element_type3A, %cond3A : i32
      scf.if %cond3A_36 {
        %add3A_50 = arith.constant 2 : i32
        %add3A_51 = arith.addi %mul3A_16, %add3A_50 : i32
        %dma_start3A_52 = arith.constant 0 : i32
        %dma_start3A_53 = tpu.memref_slice %arg5[%add3A_51, %dma_start3A_52] : memref<196x128xi32, #tpu.memory_space<vmem>> -> memref<1x128xi32, #tpu.memory_space<vmem>>
        %dma_start3A_54 = tpu.memref_squeeze %dma_start3A_53 : memref<1x128xi32, #tpu.memory_space<vmem>> -> memref<128xi32, #tpu.memory_space<vmem>>
        %dma_start3A_55 = arith.constant 0 : i32
        %dma_start3A_56 = arith.constant 0 : i32
        %dma_start3A_57 = tpu.memref_slice %arg2[%dma_start3A_55, %dma_start3A_56] : memref<50000x64xf32, #tpu.memory_space<hbm>> -> memref<50000x64xf32, #tpu.memory_space<hbm>>
        tpu.enqueue_indirect_dma source(%dma_start3A_57 : memref<50000x64xf32, #tpu.memory_space<hbm>>) target(%arg6 : memref<128x64xf32, #tpu.memory_space<vmem>>) offsets(%dma_start3A_54 : memref<128xi32, #tpu.memory_space<vmem>>) semaphore(%arg8 : memref<!tpu.dma_semaphore, #tpu.memory_space<semaphore_mem>>)
      } else {
      }
      %add3A_37 = arith.constant 1 : i32
      %add3A_38 = arith.addi %mul3A_16, %add3A_37 : i32
      %dma_wait3A_39 = arith.constant 0 : i32
      %dma_wait3A_40 = tpu.memref_slice %arg5[%add3A_38, %dma_wait3A_39] : memref<196x128xi32, #tpu.memory_space<vmem>> -> memref<1x128xi32, #tpu.memory_space<vmem>>
      %dma_wait3A_41 = tpu.memref_squeeze %dma_wait3A_40 : memref<1x128xi32, #tpu.memory_space<vmem>> -> memref<128xi32, #tpu.memory_space<vmem>>
      %dma_wait3A_42 = arith.constant 0 : i32
      %dma_wait3A_43 = arith.constant 0 : i32
      %dma_wait3A_44 = tpu.memref_slice %arg2[%dma_wait3A_42, %dma_wait3A_43] : memref<50000x64xf32, #tpu.memory_space<hbm>> -> memref<50000x64xf32, #tpu.memory_space<hbm>>
      tpu.wait_indirect_dma semaphore(%arg9 : memref<!tpu.dma_semaphore, #tpu.memory_space<semaphore_mem>>) src(%dma_wait3A_44 : memref<50000x64xf32, #tpu.memory_space<hbm>>) dst(%arg7 : memref<128x64xf32, #tpu.memory_space<vmem>>)
      %add3A_45 = arith.constant 1 : i32
      %add3A_46 = arith.addi %mul3A_16, %add3A_45 : i32
      %mul3A_47 = arith.constant 128 : i32
      %mul3A_48 = arith.muli %add3A_46, %mul3A_47 : i32
      %add3A_49 = arith.addi %mul3A_2, %mul3A_48 : i32
      "tpu.region"() ({
        %run_scoped3A = tpu.sem_alloc : memref<!tpu.dma_semaphore, #tpu.memory_space<semaphore_mem>>
        %dma_start3A_50 = arith.constant 0 : i32
        %dma_start3A_51 = tpu.memref_slice %arg4[%add3A_49, %dma_start3A_50] : memref<802816x64xf32, #tpu.memory_space<hbm>> -> memref<128x64xf32, #tpu.memory_space<hbm>>
        %dma_start3A_52 = arith.constant 0 : i32
        %dma_start3A_53 = tpu.memref_slice %arg4[%add3A_49, %dma_start3A_52] : memref<802816x64xf32, #tpu.memory_space<hbm>> -> memref<128x64xf32, #tpu.memory_space<hbm>>
        tpu.enqueue_dma source(%arg7 : memref<128x64xf32, #tpu.memory_space<vmem>>) target(%dma_start3A_53 : memref<128x64xf32, #tpu.memory_space<hbm>>) target_semaphore(%run_scoped3A : memref<!tpu.dma_semaphore, #tpu.memory_space<semaphore_mem>>)
        %dma_wait3A_54 = arith.constant 0 : i32
        %dma_wait3A_55 = tpu.memref_slice %arg4[%add3A_49, %dma_wait3A_54] : memref<802816x64xf32, #tpu.memory_space<hbm>> -> memref<128x64xf32, #tpu.memory_space<hbm>>
        %dma_wait3A_56 = arith.constant 0 : i32
        %dma_wait3A_57 = tpu.memref_slice %arg4[%add3A_49, %dma_wait3A_56] : memref<802816x64xf32, #tpu.memory_space<hbm>> -> memref<128x64xf32, #tpu.memory_space<hbm>>
        tpu.wait_dma2 semaphore(%run_scoped3A : memref<!tpu.dma_semaphore, #tpu.memory_space<semaphore_mem>>) src(%arg7 : memref<128x64xf32, #tpu.memory_space<vmem>>) dst(%dma_wait3A_57 : memref<128x64xf32, #tpu.memory_space<hbm>>)
        tpu.yield
      }) : () -> ()
    }
    %scan3A_13 = arith.constant 98 : i32
    return
  }
}

module attributes {stable_mosaic.version = 14 : i64} {
  func.func @body(%arg0: i32, %arg1: memref<2000x92xf32, #tpu.memory_space<vmem>>, %arg2: memref<92x64xf32, #tpu.memory_space<vmem>>, %arg3: memref<1x64xf32, #tpu.memory_space<vmem>>, %arg4: memref<2000x64xf32, #tpu.memory_space<vmem>>) attributes {dimension_semantics = [#tpu.dimension_semantics<arbitrary>], iteration_bounds = array<i64: 25>, scalar_prefetch = 0 : i64, scratch_operands = 0 : i64, tpu.core_type = #tpu.core_type<tc>, window_params = [{transform_indices = @transform_0, window_bounds = array<i64: 2000, 92>}, {pipeline_mode = #tpu.pipeline_mode<synchronous>, transform_indices = @transform_1, window_bounds = array<i64: 92, 64>}, {pipeline_mode = #tpu.pipeline_mode<synchronous>, transform_indices = @transform_2, window_bounds = array<i64: 1, 64>}, {transform_indices = @transform_3, window_bounds = array<i64: 2000, 64>}]} {
    %get3A = arith.constant 0 : index
    %get3A_0 = arith.constant 0 : index
    %get3A_1 = vector.load %arg1[%get3A, %get3A_0] : memref<2000x92xf32, #tpu.memory_space<vmem>>, vector<2000x92xf32>
    %get3A_2 = arith.constant 0 : index
    %get3A_3 = arith.constant 0 : index
    %get3A_4 = vector.load %arg2[%get3A_2, %get3A_3] : memref<92x64xf32, #tpu.memory_space<vmem>>, vector<92x64xf32>
    %dot_general3A = arith.constant dense<0.000000e+00> : vector<2000x64xf32>
    %dot_general3A_5 = tpu.matmul %get3A_1, %get3A_4, %dot_general3A {dimension_numbers = #tpu.dot_dimension_numbers<[1], [0], [0], [1], [0, 0, 1, 1], [], []>, transpose_lhs_hint = false} : vector<2000x92xf32>, vector<92x64xf32>, vector<2000x64xf32> -> vector<2000x64xf32>
    %get3A_6 = arith.constant 0 : index
    %get3A_7 = arith.constant 0 : index
    %get3A_8 = vector.load %arg3[%get3A_6, %get3A_7] : memref<1x64xf32, #tpu.memory_space<vmem>>, vector<1x64xf32>
    %add3A = vector.broadcast %get3A_8 : vector<1x64xf32> to vector<2000x64xf32>
    %add3A_9 = arith.addf %dot_general3A_5, %add3A : vector<2000x64xf32>
    %swap3A = arith.constant 0 : index
    %swap3A_10 = arith.constant 0 : index
    %swap3A_11 = vector.load %arg4[%swap3A, %swap3A_10] : memref<2000x64xf32, #tpu.memory_space<vmem>>, vector<2000x64xf32>
    tpu.vector_store %arg4[%swap3A, %swap3A_10], %add3A_9 {strides = array<i32>} : memref<2000x64xf32, #tpu.memory_space<vmem>>, vector<2000x64xf32>,
    return
  }
  func.func @transform_0(%arg0: i32) -> (i32, i32) {
    %c0_i32 = arith.constant 0 : i32
    %c0_i32_0 = arith.constant 0 : i32
    return %arg0, %c0_i32 : i32, i32
  }
  func.func @transform_1(%arg0: i32) -> (i32, i32) {
    %c0_i32 = arith.constant 0 : i32
    %c0_i32_0 = arith.constant 0 : i32
    %c0_i32_1 = arith.constant 0 : i32
    return %c0_i32, %c0_i32_0 : i32, i32
  }
  func.func @transform_2(%arg0: i32) -> (i32, i32) {
    %c0_i32 = arith.constant 0 : i32
    %c0_i32_0 = arith.constant 0 : i32
    %c0_i32_1 = arith.constant 0 : i32
    return %c0_i32, %c0_i32_0 : i32, i32
  }
  func.func @transform_3(%arg0: i32) -> (i32, i32) {
    %c0_i32 = arith.constant 0 : i32
    %c0_i32_0 = arith.constant 0 : i32
    return %arg0, %c0_i32 : i32, i32
  }
}

module attributes {stable_mosaic.version = 14 : i64} {
  func.func @body(%arg0: i32, %arg1: memref<1000x64xf32, #tpu.memory_space<vmem>>, %arg2: memref<8000x128xf32, #tpu.memory_space<vmem>>, %arg3: memref<8000x32xf32, #tpu.memory_space<vmem>>, %arg4: memref<64x64xf32, #tpu.memory_space<vmem>>, %arg5: memref<64x64xf32, #tpu.memory_space<vmem>>, %arg6: memref<64x64xf32, #tpu.memory_space<vmem>>, %arg7: memref<64x16xf32, #tpu.memory_space<vmem>>, %arg8: memref<64x16xf32, #tpu.memory_space<vmem>>, %arg9: memref<16x16xf32, #tpu.memory_space<vmem>>, %arg10: memref<8x64xf32, #tpu.memory_space<vmem>>, %arg11: memref<8x64xf32, #tpu.memory_space<vmem>>, %arg12: memref<8x16xf32, #tpu.memory_space<vmem>>) attributes {dimension_semantics = [#tpu.dimension_semantics<arbitrary>], iteration_bounds = array<i64: 50>, scalar_prefetch = 0 : i64, scratch_operands = 0 : i64, tpu.core_type = #tpu.core_type<tc>, window_params = [{transform_indices = @transform_0, window_bounds = array<i64: 1000, 64>}, {transform_indices = @transform_1, window_bounds = array<i64: 8000, 128>}, {transform_indices = @transform_2, window_bounds = array<i64: 8000, 32>}, {pipeline_mode = #tpu.pipeline_mode<synchronous>, transform_indices = @transform_3, window_bounds = array<i64: 64, 64>}, {pipeline_mode = #tpu.pipeline_mode<synchronous>, transform_indices = @transform_4, window_bounds = array<i64: 64, 64>}, {pipeline_mode = #tpu.pipeline_mode<synchronous>, transform_indices = @transform_5, window_bounds = array<i64: 64, 64>}, {pipeline_mode = #tpu.pipeline_mode<synchronous>, transform_indices = @transform_6, window_bounds = array<i64: 64, 16>}, {pipeline_mode = #tpu.pipeline_mode<synchronous>, transform_indices = @transform_7, window_bounds = array<i64: 64, 16>}, {pipeline_mode = #tpu.pipeline_mode<synchronous>, transform_indices = @transform_8, window_bounds = array<i64: 16, 16>}, {pipeline_mode = #tpu.pipeline_mode<synchronous>, transform_indices = @transform_9, window_bounds = array<i64: 8, 64>}, {pipeline_mode = #tpu.pipeline_mode<synchronous>, transform_indices = @transform_10, window_bounds = array<i64: 8, 64>}, {pipeline_mode = #tpu.pipeline_mode<synchronous>, transform_indices = @transform_11, window_bounds = array<i64: 8, 16>}]} {
    %eq3A = arith.constant 0 : i32
    %eq3A_0 = arith.cmpi eq, %arg0, %eq3A : i32
    %convert_element_type3A = arith.extui %eq3A_0 : i1 to i32
    %cond3A = arith.constant 0 : i32
    %cond3A_1 = arith.cmpi ne, %convert_element_type3A, %cond3A : i32
    scf.if %cond3A_1 {
      %broadcast_in_dim3A_123 = arith.constant 0.000000e+00 : f32
      %broadcast_in_dim3A_124 = vector.broadcast %broadcast_in_dim3A_123 : f32 to vector<64x64xf32>
      %swap3A_125 = arith.constant 0 : index
      %swap3A_126 = arith.constant 0 : index
      %swap3A_127 = vector.load %arg4[%swap3A_125, %swap3A_126] : memref<64x64xf32, #tpu.memory_space<vmem>>, vector<64x64xf32>
      tpu.vector_store %arg4[%swap3A_125, %swap3A_126], %broadcast_in_dim3A_124 {strides = array<i32>} : memref<64x64xf32, #tpu.memory_space<vmem>>, vector<64x64xf32>,
      %broadcast_in_dim3A_128 = arith.constant 0.000000e+00 : f32
      %broadcast_in_dim3A_129 = vector.broadcast %broadcast_in_dim3A_128 : f32 to vector<64x64xf32>
      %swap3A_130 = arith.constant 0 : index
      %swap3A_131 = arith.constant 0 : index
      %swap3A_132 = vector.load %arg5[%swap3A_130, %swap3A_131] : memref<64x64xf32, #tpu.memory_space<vmem>>, vector<64x64xf32>
      tpu.vector_store %arg5[%swap3A_130, %swap3A_131], %broadcast_in_dim3A_129 {strides = array<i32>} : memref<64x64xf32, #tpu.memory_space<vmem>>, vector<64x64xf32>,
      %broadcast_in_dim3A_133 = arith.constant 0.000000e+00 : f32
      %broadcast_in_dim3A_134 = vector.broadcast %broadcast_in_dim3A_133 : f32 to vector<64x64xf32>
      %swap3A_135 = arith.constant 0 : index
      %swap3A_136 = arith.constant 0 : index
      %swap3A_137 = vector.load %arg6[%swap3A_135, %swap3A_136] : memref<64x64xf32, #tpu.memory_space<vmem>>, vector<64x64xf32>
      tpu.vector_store %arg6[%swap3A_135, %swap3A_136], %broadcast_in_dim3A_134 {strides = array<i32>} : memref<64x64xf32, #tpu.memory_space<vmem>>, vector<64x64xf32>,
      %broadcast_in_dim3A_138 = arith.constant 0.000000e+00 : f32
      %broadcast_in_dim3A_139 = vector.broadcast %broadcast_in_dim3A_138 : f32 to vector<64x16xf32>
      %swap3A_140 = arith.constant 0 : index
      %swap3A_141 = arith.constant 0 : index
      %swap3A_142 = vector.load %arg7[%swap3A_140, %swap3A_141] : memref<64x16xf32, #tpu.memory_space<vmem>>, vector<64x16xf32>
      tpu.vector_store %arg7[%swap3A_140, %swap3A_141], %broadcast_in_dim3A_139 {strides = array<i32>} : memref<64x16xf32, #tpu.memory_space<vmem>>, vector<64x16xf32>,
      %broadcast_in_dim3A_143 = arith.constant 0.000000e+00 : f32
      %broadcast_in_dim3A_144 = vector.broadcast %broadcast_in_dim3A_143 : f32 to vector<64x16xf32>
      %swap3A_145 = arith.constant 0 : index
      %swap3A_146 = arith.constant 0 : index
      %swap3A_147 = vector.load %arg8[%swap3A_145, %swap3A_146] : memref<64x16xf32, #tpu.memory_space<vmem>>, vector<64x16xf32>
      tpu.vector_store %arg8[%swap3A_145, %swap3A_146], %broadcast_in_dim3A_144 {strides = array<i32>} : memref<64x16xf32, #tpu.memory_space<vmem>>, vector<64x16xf32>,
      %broadcast_in_dim3A_148 = arith.constant 0.000000e+00 : f32
      %broadcast_in_dim3A_149 = vector.broadcast %broadcast_in_dim3A_148 : f32 to vector<16x16xf32>
      %swap3A_150 = arith.constant 0 : index
      %swap3A_151 = arith.constant 0 : index
      %swap3A_152 = vector.load %arg9[%swap3A_150, %swap3A_151] : memref<16x16xf32, #tpu.memory_space<vmem>>, vector<16x16xf32>
      tpu.vector_store %arg9[%swap3A_150, %swap3A_151], %broadcast_in_dim3A_149 {strides = array<i32>} : memref<16x16xf32, #tpu.memory_space<vmem>>, vector<16x16xf32>,
      %broadcast_in_dim3A_153 = arith.constant 0.000000e+00 : f32
      %broadcast_in_dim3A_154 = vector.broadcast %broadcast_in_dim3A_153 : f32 to vector<8x64xf32>
      %swap3A_155 = arith.constant 0 : index
      %swap3A_156 = arith.constant 0 : index
      %swap3A_157 = vector.load %arg10[%swap3A_155, %swap3A_156] : memref<8x64xf32, #tpu.memory_space<vmem>>, vector<8x64xf32>
      tpu.vector_store %arg10[%swap3A_155, %swap3A_156], %broadcast_in_dim3A_154 {strides = array<i32>} : memref<8x64xf32, #tpu.memory_space<vmem>>, vector<8x64xf32>,
      %broadcast_in_dim3A_158 = arith.constant 0.000000e+00 : f32
      %broadcast_in_dim3A_159 = vector.broadcast %broadcast_in_dim3A_158 : f32 to vector<8x64xf32>
      %swap3A_160 = arith.constant 0 : index
      %swap3A_161 = arith.constant 0 : index
      %swap3A_162 = vector.load %arg11[%swap3A_160, %swap3A_161] : memref<8x64xf32, #tpu.memory_space<vmem>>, vector<8x64xf32>
      tpu.vector_store %arg11[%swap3A_160, %swap3A_161], %broadcast_in_dim3A_159 {strides = array<i32>} : memref<8x64xf32, #tpu.memory_space<vmem>>, vector<8x64xf32>,
      %broadcast_in_dim3A_163 = arith.constant 0.000000e+00 : f32
      %broadcast_in_dim3A_164 = vector.broadcast %broadcast_in_dim3A_163 : f32 to vector<8x16xf32>
      %swap3A_165 = arith.constant 0 : index
      %swap3A_166 = arith.constant 0 : index
      %swap3A_167 = vector.load %arg12[%swap3A_165, %swap3A_166] : memref<8x16xf32, #tpu.memory_space<vmem>>, vector<8x16xf32>
      tpu.vector_store %arg12[%swap3A_165, %swap3A_166], %broadcast_in_dim3A_164 {strides = array<i32>} : memref<8x16xf32, #tpu.memory_space<vmem>>, vector<8x16xf32>,
    } else {
    }
    %get3A = arith.constant 0 : index
    %get3A_2 = arith.constant 0 : index
    %get3A_3 = vector.load %arg1[%get3A, %get3A_2] : memref<1000x64xf32, #tpu.memory_space<vmem>>, vector<1000x64xf32>
    %get3A_4 = arith.constant 0 : index
    %get3A_5 = arith.constant 0 : index
    %get3A_6 = vector.load %arg2[%get3A_4, %get3A_5] : memref<8000x128xf32, #tpu.memory_space<vmem>>, vector<8000x128xf32>
    %get3A_7 = arith.constant 0 : index
    %get3A_8 = arith.constant 0 : index
    %get3A_9 = vector.load %arg3[%get3A_7, %get3A_8] : memref<8000x32xf32, #tpu.memory_space<vmem>>, vector<8000x32xf32>
    %concatenate3A = tpu.concatenate %get3A_3, %get3A_3 in 1 : vector<1000x64xf32>, vector<1000x64xf32> -> vector<1000x128xf32>
    %broadcast_in_dim3A = vector.shape_cast %concatenate3A : vector<1000x128xf32> to vector<1000x1x128xf32>
    %broadcast_in_dim3A_10 = vector.shape_cast %broadcast_in_dim3A : vector<1000x1x128xf32> to vector<1000x1x128xf32>
    %broadcast_in_dim3A_11 = vector.broadcast %broadcast_in_dim3A_10 : vector<1000x1x128xf32> to vector<1000x8x128xf32>
    %reshape3A = vector.shape_cast %broadcast_in_dim3A_11 : vector<1000x8x128xf32> to vector<8000x128xf32>
    %dot_general3A = arith.constant dense<0.000000e+00> : vector<128x128xf32>
    %dot_general3A_12 = tpu.matmul %get3A_6, %get3A_6, %dot_general3A {dimension_numbers = #tpu.dot_dimension_numbers<[0], [0], [1], [1], [0, 1, 1, 1], [], []>, transpose_lhs_hint = false} : vector<8000x128xf32>, vector<8000x128xf32>, vector<128x128xf32> -> vector<128x128xf32>
    %dot_general3A_13 = arith.constant dense<0.000000e+00> : vector<128x32xf32>
    %dot_general3A_14 = tpu.matmul %get3A_6, %get3A_9, %dot_general3A_13 {dimension_numbers = #tpu.dot_dimension_numbers<[0], [0], [1], [1], [0, 1, 1, 1], [], []>, transpose_lhs_hint = false} : vector<8000x128xf32>, vector<8000x32xf32>, vector<128x32xf32> -> vector<128x32xf32>
    %dot_general3A_15 = arith.constant dense<0.000000e+00> : vector<32x32xf32>
    %dot_general3A_16 = tpu.matmul %get3A_9, %get3A_9, %dot_general3A_15 {dimension_numbers = #tpu.dot_dimension_numbers<[0], [0], [1], [1], [0, 1, 1, 1], [], []>, transpose_lhs_hint = false} : vector<8000x32xf32>, vector<8000x32xf32>, vector<32x32xf32> -> vector<32x32xf32>
    %dot_general3A_17 = arith.constant dense<0.000000e+00> : vector<128x128xf32>
    %dot_general3A_18 = tpu.matmul %reshape3A, %get3A_6, %dot_general3A_17 {dimension_numbers = #tpu.dot_dimension_numbers<[0], [0], [1], [1], [0, 1, 1, 1], [], []>, transpose_lhs_hint = false} : vector<8000x128xf32>, vector<8000x128xf32>, vector<128x128xf32> -> vector<128x128xf32>
    %dot_general3A_19 = arith.constant dense<0.000000e+00> : vector<128x32xf32>
    %dot_general3A_20 = tpu.matmul %reshape3A, %get3A_9, %dot_general3A_19 {dimension_numbers = #tpu.dot_dimension_numbers<[0], [0], [1], [1], [0, 1, 1, 1], [], []>, transpose_lhs_hint = false} : vector<8000x128xf32>, vector<8000x32xf32>, vector<128x32xf32> -> vector<128x32xf32>
    %get3A_21 = arith.constant 0 : index
    %get3A_22 = arith.constant 0 : index
    %get3A_23 = vector.load %arg4[%get3A_21, %get3A_22] : memref<64x64xf32, #tpu.memory_space<vmem>>, vector<64x64xf32>
    %dot_general3A_24 = arith.constant dense<0.000000e+00> : vector<64x64xf32>
    %dot_general3A_25 = tpu.matmul %get3A_3, %get3A_3, %dot_general3A_24 {dimension_numbers = #tpu.dot_dimension_numbers<[0], [0], [1], [1], [0, 1, 1, 1], [], []>, transpose_lhs_hint = false} : vector<1000x64xf32>, vector<1000x64xf32>, vector<64x64xf32> -> vector<64x64xf32>
    %mul3A = arith.constant 1.600000e+01 : f32
    %mul3A_26 = vector.broadcast %mul3A : f32 to vector<64x64xf32>
    %mul3A_27 = arith.mulf %mul3A_26, %dot_general3A_25 : vector<64x64xf32>
    %add3A = arith.addf %get3A_23, %mul3A_27 : vector<64x64xf32>
    %swap3A = arith.constant 0 : index
    %swap3A_28 = arith.constant 0 : index
    %swap3A_29 = vector.load %arg4[%swap3A, %swap3A_28] : memref<64x64xf32, #tpu.memory_space<vmem>>, vector<64x64xf32>
    tpu.vector_store %arg4[%swap3A, %swap3A_28], %add3A {strides = array<i32>} : memref<64x64xf32, #tpu.memory_space<vmem>>, vector<64x64xf32>,
    %get3A_30 = arith.constant 0 : index
    %get3A_31 = arith.constant 0 : index
    %get3A_32 = vector.load %arg5[%get3A_30, %get3A_31] : memref<64x64xf32, #tpu.memory_space<vmem>>, vector<64x64xf32>
    %slice3A = vector.extract_strided_slice %dot_general3A_18 {offsets = [0, 0], sizes = [64, 64], strides = [1, 1]} : vector<128x128xf32> to vector<64x64xf32>
    %slice3A_33 = vector.extract_strided_slice %dot_general3A_18 {offsets = [64, 64], sizes = [64, 64], strides = [1, 1]} : vector<128x128xf32> to vector<64x64xf32>
    %add3A_34 = arith.addf %slice3A, %slice3A_33 : vector<64x64xf32>
    %add3A_35 = arith.addf %get3A_32, %add3A_34 : vector<64x64xf32>
    %swap3A_36 = arith.constant 0 : index
    %swap3A_37 = arith.constant 0 : index
    %swap3A_38 = vector.load %arg5[%swap3A_36, %swap3A_37] : memref<64x64xf32, #tpu.memory_space<vmem>>, vector<64x64xf32>
    tpu.vector_store %arg5[%swap3A_36, %swap3A_37], %add3A_35 {strides = array<i32>} : memref<64x64xf32, #tpu.memory_space<vmem>>, vector<64x64xf32>,
    %get3A_39 = arith.constant 0 : index
    %get3A_40 = arith.constant 0 : index
    %get3A_41 = vector.load %arg6[%get3A_39, %get3A_40] : memref<64x64xf32, #tpu.memory_space<vmem>>, vector<64x64xf32>
    %slice3A_42 = vector.extract_strided_slice %dot_general3A_12 {offsets = [0, 0], sizes = [64, 64], strides = [1, 1]} : vector<128x128xf32> to vector<64x64xf32>
    %slice3A_43 = vector.extract_strided_slice %dot_general3A_12 {offsets = [64, 64], sizes = [64, 64], strides = [1, 1]} : vector<128x128xf32> to vector<64x64xf32>
    %add3A_44 = arith.addf %slice3A_42, %slice3A_43 : vector<64x64xf32>
    %add3A_45 = arith.addf %get3A_41, %add3A_44 : vector<64x64xf32>
    %swap3A_46 = arith.constant 0 : index
    %swap3A_47 = arith.constant 0 : index
    %swap3A_48 = vector.load %arg6[%swap3A_46, %swap3A_47] : memref<64x64xf32, #tpu.memory_space<vmem>>, vector<64x64xf32>
    tpu.vector_store %arg6[%swap3A_46, %swap3A_47], %add3A_45 {strides = array<i32>} : memref<64x64xf32, #tpu.memory_space<vmem>>, vector<64x64xf32>,
    %get3A_49 = arith.constant 0 : index
    %get3A_50 = arith.constant 0 : index
    %get3A_51 = vector.load %arg7[%get3A_49, %get3A_50] : memref<64x16xf32, #tpu.memory_space<vmem>>, vector<64x16xf32>
    %slice3A_52 = vector.extract_strided_slice %dot_general3A_14 {offsets = [0, 0], sizes = [64, 16], strides = [1, 1]} : vector<128x32xf32> to vector<64x16xf32>
    %slice3A_53 = vector.extract_strided_slice %dot_general3A_14 {offsets = [64, 16], sizes = [64, 16], strides = [1, 1]} : vector<128x32xf32> to vector<64x16xf32>
    %add3A_54 = arith.addf %slice3A_52, %slice3A_53 : vector<64x16xf32>
    %add3A_55 = arith.addf %get3A_51, %add3A_54 : vector<64x16xf32>
    %swap3A_56 = arith.constant 0 : index
    %swap3A_57 = arith.constant 0 : index
    %swap3A_58 = vector.load %arg7[%swap3A_56, %swap3A_57] : memref<64x16xf32, #tpu.memory_space<vmem>>, vector<64x16xf32>
    tpu.vector_store %arg7[%swap3A_56, %swap3A_57], %add3A_55 {strides = array<i32>} : memref<64x16xf32, #tpu.memory_space<vmem>>, vector<64x16xf32>,
    %get3A_59 = arith.constant 0 : index
    %get3A_60 = arith.constant 0 : index
    %get3A_61 = vector.load %arg8[%get3A_59, %get3A_60] : memref<64x16xf32, #tpu.memory_space<vmem>>, vector<64x16xf32>
    %slice3A_62 = vector.extract_strided_slice %dot_general3A_20 {offsets = [0, 0], sizes = [64, 16], strides = [1, 1]} : vector<128x32xf32> to vector<64x16xf32>
    %slice3A_63 = vector.extract_strided_slice %dot_general3A_20 {offsets = [64, 16], sizes = [64, 16], strides = [1, 1]} : vector<128x32xf32> to vector<64x16xf32>
    %add3A_64 = arith.addf %slice3A_62, %slice3A_63 : vector<64x16xf32>
    %add3A_65 = arith.addf %get3A_61, %add3A_64 : vector<64x16xf32>
    %swap3A_66 = arith.constant 0 : index
    %swap3A_67 = arith.constant 0 : index
    %swap3A_68 = vector.load %arg8[%swap3A_66, %swap3A_67] : memref<64x16xf32, #tpu.memory_space<vmem>>, vector<64x16xf32>
    tpu.vector_store %arg8[%swap3A_66, %swap3A_67], %add3A_65 {strides = array<i32>} : memref<64x16xf32, #tpu.memory_space<vmem>>, vector<64x16xf32>,
    %get3A_69 = arith.constant 0 : index
    %get3A_70 = arith.constant 0 : index
    %get3A_71 = vector.load %arg9[%get3A_69, %get3A_70] : memref<16x16xf32, #tpu.memory_space<vmem>>, vector<16x16xf32>
    %slice3A_72 = vector.extract_strided_slice %dot_general3A_16 {offsets = [0, 0], sizes = [16, 16], strides = [1, 1]} : vector<32x32xf32> to vector<16x16xf32>
    %slice3A_73 = vector.extract_strided_slice %dot_general3A_16 {offsets = [16, 16], sizes = [16, 16], strides = [1, 1]} : vector<32x32xf32> to vector<16x16xf32>
    %add3A_74 = arith.addf %slice3A_72, %slice3A_73 : vector<16x16xf32>
    %add3A_75 = arith.addf %get3A_71, %add3A_74 : vector<16x16xf32>
    %swap3A_76 = arith.constant 0 : index
    %swap3A_77 = arith.constant 0 : index
    %swap3A_78 = vector.load %arg9[%swap3A_76, %swap3A_77] : memref<16x16xf32, #tpu.memory_space<vmem>>, vector<16x16xf32>
    tpu.vector_store %arg9[%swap3A_76, %swap3A_77], %add3A_75 {strides = array<i32>} : memref<16x16xf32, #tpu.memory_space<vmem>>, vector<16x16xf32>,
    %get3A_79 = arith.constant 0 : index
    %get3A_80 = arith.constant 0 : index
    %get3A_81 = vector.load %arg10[%get3A_79, %get3A_80] : memref<8x64xf32, #tpu.memory_space<vmem>>, vector<8x64xf32>
    %reduce_sum3A = arith.constant dense<0.000000e+00> : vector<64xf32>
    %reduce_sum3A_82 = vector.multi_reduction <add>, %get3A_3, %reduce_sum3A [0] : vector<1000x64xf32> to vector<64xf32>
    %broadcast_in_dim3A_83 = vector.shape_cast %reduce_sum3A_82 : vector<64xf32> to vector<1x64xf32>
    %mul3A_84 = arith.constant 1.600000e+01 : f32
    %mul3A_85 = vector.broadcast %mul3A_84 : f32 to vector<1x64xf32>
    %mul3A_86 = arith.mulf %mul3A_85, %broadcast_in_dim3A_83 : vector<1x64xf32>
    %broadcast_in_dim3A_87 = vector.shape_cast %mul3A_86 : vector<1x64xf32> to vector<1x64xf32>
    %broadcast_in_dim3A_88 = vector.broadcast %broadcast_in_dim3A_87 : vector<1x64xf32> to vector<8x64xf32>
    %add3A_89 = arith.addf %get3A_81, %broadcast_in_dim3A_88 : vector<8x64xf32>
    %swap3A_90 = arith.constant 0 : index
    %swap3A_91 = arith.constant 0 : index
    %swap3A_92 = vector.load %arg10[%swap3A_90, %swap3A_91] : memref<8x64xf32, #tpu.memory_space<vmem>>, vector<8x64xf32>
    tpu.vector_store %arg10[%swap3A_90, %swap3A_91], %add3A_89 {strides = array<i32>} : memref<8x64xf32, #tpu.memory_space<vmem>>, vector<8x64xf32>,
    %reduce_sum3A_93 = arith.constant dense<0.000000e+00> : vector<128xf32>
    %reduce_sum3A_94 = vector.multi_reduction <add>, %get3A_6, %reduce_sum3A_93 [0] : vector<8000x128xf32> to vector<128xf32>
    %broadcast_in_dim3A_95 = vector.shape_cast %reduce_sum3A_94 : vector<128xf32> to vector<1x128xf32>
    %get3A_96 = arith.constant 0 : index
    %get3A_97 = arith.constant 0 : index
    %get3A_98 = vector.load %arg11[%get3A_96, %get3A_97] : memref<8x64xf32, #tpu.memory_space<vmem>>, vector<8x64xf32>
    %slice3A_99 = vector.extract_strided_slice %broadcast_in_dim3A_95 {offsets = [0, 0], sizes = [1, 64], strides = [1, 1]} : vector<1x128xf32> to vector<1x64xf32>
    %slice3A_100 = vector.extract_strided_slice %broadcast_in_dim3A_95 {offsets = [0, 64], sizes = [1, 64], strides = [1, 1]} : vector<1x128xf32> to vector<1x64xf32>
    %add3A_101 = arith.addf %slice3A_99, %slice3A_100 : vector<1x64xf32>
    %broadcast_in_dim3A_102 = vector.shape_cast %add3A_101 : vector<1x64xf32> to vector<1x64xf32>
    %broadcast_in_dim3A_103 = vector.broadcast %broadcast_in_dim3A_102 : vector<1x64xf32> to vector<8x64xf32>
    %add3A_104 = arith.addf %get3A_98, %broadcast_in_dim3A_103 : vector<8x64xf32>
    %swap3A_105 = arith.constant 0 : index
    %swap3A_106 = arith.constant 0 : index
    %swap3A_107 = vector.load %arg11[%swap3A_105, %swap3A_106] : memref<8x64xf32, #tpu.memory_space<vmem>>, vector<8x64xf32>
    tpu.vector_store %arg11[%swap3A_105, %swap3A_106], %add3A_104 {strides = array<i32>} : memref<8x64xf32, #tpu.memory_space<vmem>>, vector<8x64xf32>,
    %reduce_sum3A_108 = arith.constant dense<0.000000e+00> : vector<32xf32>
    %reduce_sum3A_109 = vector.multi_reduction <add>, %get3A_9, %reduce_sum3A_108 [0] : vector<8000x32xf32> to vector<32xf32>
    %broadcast_in_dim3A_110 = vector.shape_cast %reduce_sum3A_109 : vector<32xf32> to vector<1x32xf32>
    %get3A_111 = arith.constant 0 : index
    %get3A_112 = arith.constant 0 : index
    %get3A_113 = vector.load %arg12[%get3A_111, %get3A_112] : memref<8x16xf32, #tpu.memory_space<vmem>>, vector<8x16xf32>
    %slice3A_114 = vector.extract_strided_slice %broadcast_in_dim3A_110 {offsets = [0, 0], sizes = [1, 16], strides = [1, 1]} : vector<1x32xf32> to vector<1x16xf32>
    %slice3A_115 = vector.extract_strided_slice %broadcast_in_dim3A_110 {offsets = [0, 16], sizes = [1, 16], strides = [1, 1]} : vector<1x32xf32> to vector<1x16xf32>
    %add3A_116 = arith.addf %slice3A_114, %slice3A_115 : vector<1x16xf32>
    %broadcast_in_dim3A_117 = vector.shape_cast %add3A_116 : vector<1x16xf32> to vector<1x16xf32>
    %broadcast_in_dim3A_118 = vector.broadcast %broadcast_in_dim3A_117 : vector<1x16xf32> to vector<8x16xf32>
    %add3A_119 = arith.addf %get3A_113, %broadcast_in_dim3A_118 : vector<8x16xf32>
    %swap3A_120 = arith.constant 0 : index
    %swap3A_121 = arith.constant 0 : index
    %swap3A_122 = vector.load %arg12[%swap3A_120, %swap3A_121] : memref<8x16xf32, #tpu.memory_space<vmem>>, vector<8x16xf32>
    tpu.vector_store %arg12[%swap3A_120, %swap3A_121], %add3A_119 {strides = array<i32>} : memref<8x16xf32, #tpu.memory_space<vmem>>, vector<8x16xf32>,
    return
  }
  func.func @transform_0(%arg0: i32) -> (i32, i32) {
    %c0_i32 = arith.constant 0 : i32
    %c0_i32_0 = arith.constant 0 : i32
    return %arg0, %c0_i32 : i32, i32
  }
  func.func @transform_1(%arg0: i32) -> (i32, i32) {
    %c0_i32 = arith.constant 0 : i32
    %c0_i32_0 = arith.constant 0 : i32
    return %arg0, %c0_i32 : i32, i32
  }
  func.func @transform_2(%arg0: i32) -> (i32, i32) {
    %c0_i32 = arith.constant 0 : i32
    %c0_i32_0 = arith.constant 0 : i32
    return %arg0, %c0_i32 : i32, i32
  }
  func.func @transform_3(%arg0: i32) -> (i32, i32) {
    %c0_i32 = arith.constant 0 : i32
    %c0_i32_0 = arith.constant 0 : i32
    %c0_i32_1 = arith.constant 0 : i32
    return %c0_i32, %c0_i32_0 : i32, i32
  }
  func.func @transform_4(%arg0: i32) -> (i32, i32) {
    %c0_i32 = arith.constant 0 : i32
    %c0_i32_0 = arith.constant 0 : i32
    %c0_i32_1 = arith.constant 0 : i32
    return %c0_i32, %c0_i32_0 : i32, i32
  }
  func.func @transform_5(%arg0: i32) -> (i32, i32) {
    %c0_i32 = arith.constant 0 : i32
    %c0_i32_0 = arith.constant 0 : i32
    %c0_i32_1 = arith.constant 0 : i32
    return %c0_i32, %c0_i32_0 : i32, i32
  }
  func.func @transform_6(%arg0: i32) -> (i32, i32) {
    %c0_i32 = arith.constant 0 : i32
    %c0_i32_0 = arith.constant 0 : i32
    %c0_i32_1 = arith.constant 0 : i32
    return %c0_i32, %c0_i32_0 : i32, i32
  }
  func.func @transform_7(%arg0: i32) -> (i32, i32) {
    %c0_i32 = arith.constant 0 : i32
    %c0_i32_0 = arith.constant 0 : i32
    %c0_i32_1 = arith.constant 0 : i32
    return %c0_i32, %c0_i32_0 : i32, i32
  }
  func.func @transform_8(%arg0: i32) -> (i32, i32) {
    %c0_i32 = arith.constant 0 : i32
    %c0_i32_0 = arith.constant 0 : i32
    %c0_i32_1 = arith.constant 0 : i32
    return %c0_i32, %c0_i32_0 : i32, i32
  }
  func.func @transform_9(%arg0: i32) -> (i32, i32) {
    %c0_i32 = arith.constant 0 : i32
    %c0_i32_0 = arith.constant 0 : i32
    %c0_i32_1 = arith.constant 0 : i32
    return %c0_i32, %c0_i32_0 : i32, i32
  }
  func.func @transform_10(%arg0: i32) -> (i32, i32) {
    %c0_i32 = arith.constant 0 : i32
    %c0_i32_0 = arith.constant 0 : i32
    %c0_i32_1 = arith.constant 0 : i32
    return %c0_i32, %c0_i32_0 : i32, i32
  }
  func.func @transform_11(%arg0: i32) -> (i32, i32) {
    %c0_i32 = arith.constant 0 : i32
    %c0_i32_0 = arith.constant 0 : i32
    %c0_i32_1 = arith.constant 0 : i32
    return %c0_i32, %c0_i32_0 : i32, i32
  }
}

module attributes {stable_mosaic.version = 14 : i64} {
  func.func @body(%arg0: i32, %arg1: memref<1000x64xf32, #tpu.memory_space<vmem>>, %arg2: memref<8000x128xf32, #tpu.memory_space<vmem>>, %arg3: memref<8000x32xf32, #tpu.memory_space<vmem>>, %arg4: memref<64x128xf32, #tpu.memory_space<vmem>>, %arg5: memref<64x128xf32, #tpu.memory_space<vmem>>, %arg6: memref<128x128xf32, #tpu.memory_space<vmem>>, %arg7: memref<128x128xf32, #tpu.memory_space<vmem>>, %arg8: memref<32x128xf32, #tpu.memory_space<vmem>>, %arg9: memref<32x128xf32, #tpu.memory_space<vmem>>, %arg10: memref<1x128xf32, #tpu.memory_space<vmem>>, %arg11: memref<1x128xf32, #tpu.memory_space<vmem>>, %arg12: memref<1000x64xf32, #tpu.memory_space<vmem>>, %arg13: memref<8x64xf32, #tpu.memory_space<vmem>>, %arg14: memref<8x64xf32, #tpu.memory_space<vmem>>) attributes {dimension_semantics = [#tpu.dimension_semantics<arbitrary>], iteration_bounds = array<i64: 50>, scalar_prefetch = 0 : i64, scratch_operands = 0 : i64, tpu.core_type = #tpu.core_type<tc>, window_params = [{transform_indices = @transform_0, window_bounds = array<i64: 1000, 64>}, {transform_indices = @transform_1, window_bounds = array<i64: 8000, 128>}, {transform_indices = @transform_2, window_bounds = array<i64: 8000, 32>}, {pipeline_mode = #tpu.pipeline_mode<synchronous>, transform_indices = @transform_3, window_bounds = array<i64: 64, 128>}, {pipeline_mode = #tpu.pipeline_mode<synchronous>, transform_indices = @transform_4, window_bounds = array<i64: 64, 128>}, {pipeline_mode = #tpu.pipeline_mode<synchronous>, transform_indices = @transform_5, window_bounds = array<i64: 128, 128>}, {pipeline_mode = #tpu.pipeline_mode<synchronous>, transform_indices = @transform_6, window_bounds = array<i64: 128, 128>}, {pipeline_mode = #tpu.pipeline_mode<synchronous>, transform_indices = @transform_7, window_bounds = array<i64: 32, 128>}, {pipeline_mode = #tpu.pipeline_mode<synchronous>, transform_indices = @transform_8, window_bounds = array<i64: 32, 128>}, {pipeline_mode = #tpu.pipeline_mode<synchronous>, transform_indices = @transform_9, window_bounds = array<i64: 1, 128>}, {pipeline_mode = #tpu.pipeline_mode<synchronous>, transform_indices = @transform_10, window_bounds = array<i64: 1, 128>}, {transform_indices = @transform_11, window_bounds = array<i64: 1000, 64>}, {pipeline_mode = #tpu.pipeline_mode<synchronous>, transform_indices = @transform_12, window_bounds = array<i64: 8, 64>}, {pipeline_mode = #tpu.pipeline_mode<synchronous>, transform_indices = @transform_13, window_bounds = array<i64: 8, 64>}]} {
    %get3A = arith.constant 0 : index
    %get3A_0 = arith.constant 0 : index
    %get3A_1 = vector.load %arg1[%get3A, %get3A_0] : memref<1000x64xf32, #tpu.memory_space<vmem>>, vector<1000x64xf32>
    %get3A_2 = arith.constant 0 : index
    %get3A_3 = arith.constant 0 : index
    %get3A_4 = vector.load %arg2[%get3A_2, %get3A_3] : memref<8000x128xf32, #tpu.memory_space<vmem>>, vector<8000x128xf32>
    %get3A_5 = arith.constant 0 : index
    %get3A_6 = arith.constant 0 : index
    %get3A_7 = vector.load %arg3[%get3A_5, %get3A_6] : memref<8000x32xf32, #tpu.memory_space<vmem>>, vector<8000x32xf32>
    %get3A_8 = arith.constant 0 : index
    %get3A_9 = arith.constant 0 : index
    %get3A_10 = vector.load %arg4[%get3A_8, %get3A_9] : memref<64x128xf32, #tpu.memory_space<vmem>>, vector<64x128xf32>
    %dot_general3A = arith.constant dense<0.000000e+00> : vector<1000x128xf32>
    %dot_general3A_11 = tpu.matmul %get3A_1, %get3A_10, %dot_general3A {dimension_numbers = #tpu.dot_dimension_numbers<[1], [0], [0], [1], [0, 0, 1, 1], [], []>, transpose_lhs_hint = false} : vector<1000x64xf32>, vector<64x128xf32>, vector<1000x128xf32> -> vector<1000x128xf32>
    %get3A_12 = arith.constant 0 : index
    %get3A_13 = arith.constant 0 : index
    %get3A_14 = vector.load %arg10[%get3A_12, %get3A_13] : memref<1x128xf32, #tpu.memory_space<vmem>>, vector<1x128xf32>
    %add3A = vector.broadcast %get3A_14 : vector<1x128xf32> to vector<1000x128xf32>
    %add3A_15 = arith.addf %dot_general3A_11, %add3A : vector<1000x128xf32>
    %get3A_16 = arith.constant 0 : index
    %get3A_17 = arith.constant 0 : index
    %get3A_18 = vector.load %arg5[%get3A_16, %get3A_17] : memref<64x128xf32, #tpu.memory_space<vmem>>, vector<64x128xf32>
    %dot_general3A_19 = arith.constant dense<0.000000e+00> : vector<1000x128xf32>
    %dot_general3A_20 = tpu.matmul %get3A_1, %get3A_18, %dot_general3A_19 {dimension_numbers = #tpu.dot_dimension_numbers<[1], [0], [0], [1], [0, 0, 1, 1], [], []>, transpose_lhs_hint = false} : vector<1000x64xf32>, vector<64x128xf32>, vector<1000x128xf32> -> vector<1000x128xf32>
    %get3A_21 = arith.constant 0 : index
    %get3A_22 = arith.constant 0 : index
    %get3A_23 = vector.load %arg11[%get3A_21, %get3A_22] : memref<1x128xf32, #tpu.memory_space<vmem>>, vector<1x128xf32>
    %add3A_24 = vector.broadcast %get3A_23 : vector<1x128xf32> to vector<1000x128xf32>
    %add3A_25 = arith.addf %dot_general3A_20, %add3A_24 : vector<1000x128xf32>
    %get3A_26 = arith.constant 0 : index
    %get3A_27 = arith.constant 0 : index
    %get3A_28 = vector.load %arg6[%get3A_26, %get3A_27] : memref<128x128xf32, #tpu.memory_space<vmem>>, vector<128x128xf32>
    %dot_general3A_29 = arith.constant dense<0.000000e+00> : vector<8000x128xf32>
    %dot_general3A_30 = tpu.matmul %get3A_4, %get3A_28, %dot_general3A_29 {dimension_numbers = #tpu.dot_dimension_numbers<[1], [0], [0], [1], [0, 0, 1, 1], [], []>, transpose_lhs_hint = false} : vector<8000x128xf32>, vector<128x128xf32>, vector<8000x128xf32> -> vector<8000x128xf32>
    %get3A_31 = arith.constant 0 : index
    %get3A_32 = arith.constant 0 : index
    %get3A_33 = vector.load %arg8[%get3A_31, %get3A_32] : memref<32x128xf32, #tpu.memory_space<vmem>>, vector<32x128xf32>
    %dot_general3A_34 = arith.constant dense<0.000000e+00> : vector<8000x128xf32>
    %dot_general3A_35 = tpu.matmul %get3A_7, %get3A_33, %dot_general3A_34 {dimension_numbers = #tpu.dot_dimension_numbers<[1], [0], [0], [1], [0, 0, 1, 1], [], []>, transpose_lhs_hint = false} : vector<8000x32xf32>, vector<32x128xf32>, vector<8000x128xf32> -> vector<8000x128xf32>
    %add3A_36 = arith.addf %dot_general3A_30, %dot_general3A_35 : vector<8000x128xf32>
    %reshape3A = vector.shape_cast %add3A_36 : vector<8000x128xf32> to vector<1000x8x128xf32>
    %broadcast_in_dim3A = vector.shape_cast %add3A_15 : vector<1000x128xf32> to vector<1000x1x128xf32>
    %add3A_37 = vector.broadcast %broadcast_in_dim3A : vector<1000x1x128xf32> to vector<1000x8x128xf32>
    %add3A_38 = arith.addf %reshape3A, %add3A_37 : vector<1000x8x128xf32>
    %get3A_39 = arith.constant 0 : index
    %get3A_40 = arith.constant 0 : index
    %get3A_41 = vector.load %arg7[%get3A_39, %get3A_40] : memref<128x128xf32, #tpu.memory_space<vmem>>, vector<128x128xf32>
    %dot_general3A_42 = arith.constant dense<0.000000e+00> : vector<8000x128xf32>
    %dot_general3A_43 = tpu.matmul %get3A_4, %get3A_41, %dot_general3A_42 {dimension_numbers = #tpu.dot_dimension_numbers<[1], [0], [0], [1], [0, 0, 1, 1], [], []>, transpose_lhs_hint = false} : vector<8000x128xf32>, vector<128x128xf32>, vector<8000x128xf32> -> vector<8000x128xf32>
    %get3A_44 = arith.constant 0 : index
    %get3A_45 = arith.constant 0 : index
    %get3A_46 = vector.load %arg9[%get3A_44, %get3A_45] : memref<32x128xf32, #tpu.memory_space<vmem>>, vector<32x128xf32>
    %dot_general3A_47 = arith.constant dense<0.000000e+00> : vector<8000x128xf32>
    %dot_general3A_48 = tpu.matmul %get3A_7, %get3A_46, %dot_general3A_47 {dimension_numbers = #tpu.dot_dimension_numbers<[1], [0], [0], [1], [0, 0, 1, 1], [], []>, transpose_lhs_hint = false} : vector<8000x32xf32>, vector<32x128xf32>, vector<8000x128xf32> -> vector<8000x128xf32>
    %add3A_49 = arith.addf %dot_general3A_43, %dot_general3A_48 : vector<8000x128xf32>
    %reshape3A_50 = vector.shape_cast %add3A_49 : vector<8000x128xf32> to vector<1000x8x128xf32>
    %broadcast_in_dim3A_51 = vector.shape_cast %add3A_25 : vector<1000x128xf32> to vector<1000x1x128xf32>
    %add3A_52 = vector.broadcast %broadcast_in_dim3A_51 : vector<1000x1x128xf32> to vector<1000x8x128xf32>
    %add3A_53 = arith.addf %reshape3A_50, %add3A_52 : vector<1000x8x128xf32>
    %logistic3A = arith.negf %add3A_38 : vector<1000x8x128xf32>
    %logistic3A_54 = math.exp %logistic3A : vector<1000x8x128xf32>
    %logistic3A_55 = arith.constant 1.000000e+00 : f32
    %logistic3A_56 = vector.broadcast %logistic3A_55 : f32 to vector<1000x8x128xf32>
    %logistic3A_57 = arith.addf %logistic3A_56, %logistic3A_54 : vector<1000x8x128xf32>
    %logistic3A_58 = arith.divf %logistic3A_56, %logistic3A_57 : vector<1000x8x128xf32>
    %ge3A = arith.constant 0.000000e+00 : f32
    %ge3A_59 = vector.broadcast %ge3A : f32 to vector<1000x8x128xf32>
    %ge3A_60 = arith.cmpf oge, %add3A_53, %ge3A_59 : vector<1000x8x128xf32>
    %mul3A = arith.constant 0.00999999977 : f32
    %mul3A_61 = vector.broadcast %mul3A : f32 to vector<1000x8x128xf32>
    %mul3A_62 = arith.mulf %mul3A_61, %add3A_53 : vector<1000x8x128xf32>
    %select_n3A = arith.select %ge3A_60, %add3A_53, %mul3A_62 : vector<1000x8x128xi1>, vector<1000x8x128xf32>
    %mul3A_63 = arith.mulf %logistic3A_58, %select_n3A : vector<1000x8x128xf32>
    %reduce_sum3A = arith.constant dense<0.000000e+00> : vector<1000x128xf32>
    %reduce_sum3A_64 = vector.multi_reduction <add>, %mul3A_63, %reduce_sum3A [1] : vector<1000x8x128xf32> to vector<1000x128xf32>
    %slice3A = vector.extract_strided_slice %reduce_sum3A_64 {offsets = [0, 0], sizes = [1000, 64], strides = [1, 1]} : vector<1000x128xf32> to vector<1000x64xf32>
    %slice3A_65 = vector.extract_strided_slice %reduce_sum3A_64 {offsets = [0, 64], sizes = [1000, 64], strides = [1, 1]} : vector<1000x128xf32> to vector<1000x64xf32>
    %add3A_66 = arith.addf %slice3A, %slice3A_65 : vector<1000x64xf32>
    %swap3A = arith.constant 0 : index
    %swap3A_67 = arith.constant 0 : index
    %swap3A_68 = vector.load %arg12[%swap3A, %swap3A_67] : memref<1000x64xf32, #tpu.memory_space<vmem>>, vector<1000x64xf32>
    tpu.vector_store %arg12[%swap3A, %swap3A_67], %add3A_66 {strides = array<i32>} : memref<1000x64xf32, #tpu.memory_space<vmem>>, vector<1000x64xf32>,
    %eq3A = arith.constant 0 : i32
    %eq3A_69 = arith.cmpi eq, %arg0, %eq3A : i32
    %convert_element_type3A = arith.extui %eq3A_69 : i1 to i32
    %cond3A = arith.constant 0 : i32
    %cond3A_70 = arith.cmpi ne, %convert_element_type3A, %cond3A : i32
    scf.if %cond3A_70 {
      %broadcast_in_dim3A_96 = arith.constant 0.000000e+00 : f32
      %broadcast_in_dim3A_97 = vector.broadcast %broadcast_in_dim3A_96 : f32 to vector<8x64xf32>
      %swap3A_98 = arith.constant 0 : index
      %swap3A_99 = arith.constant 0 : index
      %swap3A_100 = vector.load %arg13[%swap3A_98, %swap3A_99] : memref<8x64xf32, #tpu.memory_space<vmem>>, vector<8x64xf32>
      tpu.vector_store %arg13[%swap3A_98, %swap3A_99], %broadcast_in_dim3A_97 {strides = array<i32>} : memref<8x64xf32, #tpu.memory_space<vmem>>, vector<8x64xf32>,
      %broadcast_in_dim3A_101 = arith.constant 0.000000e+00 : f32
      %broadcast_in_dim3A_102 = vector.broadcast %broadcast_in_dim3A_101 : f32 to vector<8x64xf32>
      %swap3A_103 = arith.constant 0 : index
      %swap3A_104 = arith.constant 0 : index
      %swap3A_105 = vector.load %arg14[%swap3A_103, %swap3A_104] : memref<8x64xf32, #tpu.memory_space<vmem>>, vector<8x64xf32>
      tpu.vector_store %arg14[%swap3A_103, %swap3A_104], %broadcast_in_dim3A_102 {strides = array<i32>} : memref<8x64xf32, #tpu.memory_space<vmem>>, vector<8x64xf32>,
    } else {
    }
    %get3A_71 = arith.constant 0 : index
    %get3A_72 = arith.constant 0 : index
    %get3A_73 = vector.load %arg13[%get3A_71, %get3A_72] : memref<8x64xf32, #tpu.memory_space<vmem>>, vector<8x64xf32>
    %reduce_sum3A_74 = arith.constant dense<0.000000e+00> : vector<64xf32>
    %reduce_sum3A_75 = vector.multi_reduction <add>, %add3A_66, %reduce_sum3A_74 [0] : vector<1000x64xf32> to vector<64xf32>
    %broadcast_in_dim3A_76 = vector.shape_cast %reduce_sum3A_75 : vector<64xf32> to vector<1x64xf32>
    %broadcast_in_dim3A_77 = vector.shape_cast %broadcast_in_dim3A_76 : vector<1x64xf32> to vector<1x64xf32>
    %broadcast_in_dim3A_78 = vector.broadcast %broadcast_in_dim3A_77 : vector<1x64xf32> to vector<8x64xf32>
    %add3A_79 = arith.addf %get3A_73, %broadcast_in_dim3A_78 : vector<8x64xf32>
    %swap3A_80 = arith.constant 0 : index
    %swap3A_81 = arith.constant 0 : index
    %swap3A_82 = vector.load %arg13[%swap3A_80, %swap3A_81] : memref<8x64xf32, #tpu.memory_space<vmem>>, vector<8x64xf32>
    tpu.vector_store %arg13[%swap3A_80, %swap3A_81], %add3A_79 {strides = array<i32>} : memref<8x64xf32, #tpu.memory_space<vmem>>, vector<8x64xf32>,
    %get3A_83 = arith.constant 0 : index
    %get3A_84 = arith.constant 0 : index
    %get3A_85 = vector.load %arg14[%get3A_83, %get3A_84] : memref<8x64xf32, #tpu.memory_space<vmem>>, vector<8x64xf32>
    %mul3A_86 = arith.mulf %add3A_66, %add3A_66 : vector<1000x64xf32>
    %reduce_sum3A_87 = arith.constant dense<0.000000e+00> : vector<64xf32>
    %reduce_sum3A_88 = vector.multi_reduction <add>, %mul3A_86, %reduce_sum3A_87 [0] : vector<1000x64xf32> to vector<64xf32>
    %broadcast_in_dim3A_89 = vector.shape_cast %reduce_sum3A_88 : vector<64xf32> to vector<1x64xf32>
    %broadcast_in_dim3A_90 = vector.shape_cast %broadcast_in_dim3A_89 : vector<1x64xf32> to vector<1x64xf32>
    %broadcast_in_dim3A_91 = vector.broadcast %broadcast_in_dim3A_90 : vector<1x64xf32> to vector<8x64xf32>
    %add3A_92 = arith.addf %get3A_85, %broadcast_in_dim3A_91 : vector<8x64xf32>
    %swap3A_93 = arith.constant 0 : index
    %swap3A_94 = arith.constant 0 : index
    %swap3A_95 = vector.load %arg14[%swap3A_93, %swap3A_94] : memref<8x64xf32, #tpu.memory_space<vmem>>, vector<8x64xf32>
    tpu.vector_store %arg14[%swap3A_93, %swap3A_94], %add3A_92 {strides = array<i32>} : memref<8x64xf32, #tpu.memory_space<vmem>>, vector<8x64xf32>,
    return
  }
  func.func @transform_0(%arg0: i32) -> (i32, i32) {
    %c0_i32 = arith.constant 0 : i32
    %c0_i32_0 = arith.constant 0 : i32
    return %arg0, %c0_i32 : i32, i32
  }
  func.func @transform_1(%arg0: i32) -> (i32, i32) {
    %c0_i32 = arith.constant 0 : i32
    %c0_i32_0 = arith.constant 0 : i32
    return %arg0, %c0_i32 : i32, i32
  }
  func.func @transform_2(%arg0: i32) -> (i32, i32) {
    %c0_i32 = arith.constant 0 : i32
    %c0_i32_0 = arith.constant 0 : i32
    return %arg0, %c0_i32 : i32, i32
  }
  func.func @transform_3(%arg0: i32) -> (i32, i32) {
    %c0_i32 = arith.constant 0 : i32
    %c0_i32_0 = arith.constant 0 : i32
    %c0_i32_1 = arith.constant 0 : i32
    return %c0_i32, %c0_i32_0 : i32, i32
  }
  func.func @transform_4(%arg0: i32) -> (i32, i32) {
    %c0_i32 = arith.constant 0 : i32
    %c0_i32_0 = arith.constant 0 : i32
    %c0_i32_1 = arith.constant 0 : i32
    return %c0_i32, %c0_i32_0 : i32, i32
  }
  func.func @transform_5(%arg0: i32) -> (i32, i32) {
    %c0_i32 = arith.constant 0 : i32
    %c0_i32_0 = arith.constant 0 : i32
    %c0_i32_1 = arith.constant 0 : i32
    return %c0_i32, %c0_i32_0 : i32, i32
  }
  func.func @transform_6(%arg0: i32) -> (i32, i32) {
    %c0_i32 = arith.constant 0 : i32
    %c0_i32_0 = arith.constant 0 : i32
    %c0_i32_1 = arith.constant 0 : i32
    return %c0_i32, %c0_i32_0 : i32, i32
  }
  func.func @transform_7(%arg0: i32) -> (i32, i32) {
    %c0_i32 = arith.constant 0 : i32
    %c0_i32_0 = arith.constant 0 : i32
    %c0_i32_1 = arith.constant 0 : i32
    return %c0_i32, %c0_i32_0 : i32, i32
  }
  func.func @transform_8(%arg0: i32) -> (i32, i32) {
    %c0_i32 = arith.constant 0 : i32
    %c0_i32_0 = arith.constant 0 : i32
    %c0_i32_1 = arith.constant 0 : i32
    return %c0_i32, %c0_i32_0 : i32, i32
  }
  func.func @transform_9(%arg0: i32) -> (i32, i32) {
    %c0_i32 = arith.constant 0 : i32
    %c0_i32_0 = arith.constant 0 : i32
    %c0_i32_1 = arith.constant 0 : i32
    return %c0_i32, %c0_i32_0 : i32, i32
  }
  func.func @transform_10(%arg0: i32) -> (i32, i32) {
    %c0_i32 = arith.constant 0 : i32
    %c0_i32_0 = arith.constant 0 : i32
    %c0_i32_1 = arith.constant 0 : i32
    return %c0_i32, %c0_i32_0 : i32, i32
  }
  func.func @transform_11(%arg0: i32) -> (i32, i32) {
    %c0_i32 = arith.constant 0 : i32
    %c0_i32_0 = arith.constant 0 : i32
    return %arg0, %c0_i32 : i32, i32
  }
  func.func @transform_12(%arg0: i32) -> (i32, i32) {
    %c0_i32 = arith.constant 0 : i32
    %c0_i32_0 = arith.constant 0 : i32
    %c0_i32_1 = arith.constant 0 : i32
    return %c0_i32, %c0_i32_0 : i32, i32
  }
  func.func @transform_13(%arg0: i32) -> (i32, i32) {
    %c0_i32 = arith.constant 0 : i32
    %c0_i32_0 = arith.constant 0 : i32
    %c0_i32_1 = arith.constant 0 : i32
    return %c0_i32, %c0_i32_0 : i32, i32
  }
}

module attributes {stable_mosaic.version = 14 : i64} {
  func.func @body(%arg0: i32, %arg1: memref<1000x64xf32, #tpu.memory_space<vmem>>, %arg2: memref<1000x64xf32, #tpu.memory_space<vmem>>, %arg3: memref<1x64xf32, #tpu.memory_space<vmem>>, %arg4: memref<1x64xf32, #tpu.memory_space<vmem>>, %arg5: memref<1000x64xf32, #tpu.memory_space<vmem>>) attributes {dimension_semantics = [#tpu.dimension_semantics<arbitrary>], iteration_bounds = array<i64: 50>, scalar_prefetch = 0 : i64, scratch_operands = 0 : i64, tpu.core_type = #tpu.core_type<tc>, window_params = [{transform_indices = @transform_0, window_bounds = array<i64: 1000, 64>}, {transform_indices = @transform_1, window_bounds = array<i64: 1000, 64>}, {pipeline_mode = #tpu.pipeline_mode<synchronous>, transform_indices = @transform_2, window_bounds = array<i64: 1, 64>}, {pipeline_mode = #tpu.pipeline_mode<synchronous>, transform_indices = @transform_3, window_bounds = array<i64: 1, 64>}, {transform_indices = @transform_4, window_bounds = array<i64: 1000, 64>}]} {
    %get3A = arith.constant 0 : index
    %get3A_0 = arith.constant 0 : index
    %get3A_1 = vector.load %arg1[%get3A, %get3A_0] : memref<1000x64xf32, #tpu.memory_space<vmem>>, vector<1000x64xf32>
    %get3A_2 = arith.constant 0 : index
    %get3A_3 = arith.constant 0 : index
    %get3A_4 = vector.load %arg2[%get3A_2, %get3A_3] : memref<1000x64xf32, #tpu.memory_space<vmem>>, vector<1000x64xf32>
    %get3A_5 = arith.constant 0 : index
    %get3A_6 = arith.constant 0 : index
    %get3A_7 = vector.load %arg3[%get3A_5, %get3A_6] : memref<1x64xf32, #tpu.memory_space<vmem>>, vector<1x64xf32>
    %mul3A = vector.broadcast %get3A_7 : vector<1x64xf32> to vector<1000x64xf32>
    %mul3A_8 = arith.mulf %get3A_4, %mul3A : vector<1000x64xf32>
    %add3A = arith.addf %get3A_1, %mul3A_8 : vector<1000x64xf32>
    %get3A_9 = arith.constant 0 : index
    %get3A_10 = arith.constant 0 : index
    %get3A_11 = vector.load %arg4[%get3A_9, %get3A_10] : memref<1x64xf32, #tpu.memory_space<vmem>>, vector<1x64xf32>
    %add3A_12 = vector.broadcast %get3A_11 : vector<1x64xf32> to vector<1000x64xf32>
    %add3A_13 = arith.addf %add3A, %add3A_12 : vector<1000x64xf32>
    %ge3A = arith.constant 0.000000e+00 : f32
    %ge3A_14 = vector.broadcast %ge3A : f32 to vector<1000x64xf32>
    %ge3A_15 = arith.cmpf oge, %add3A_13, %ge3A_14 : vector<1000x64xf32>
    %mul3A_16 = arith.constant 0.00999999977 : f32
    %mul3A_17 = vector.broadcast %mul3A_16 : f32 to vector<1000x64xf32>
    %mul3A_18 = arith.mulf %mul3A_17, %add3A_13 : vector<1000x64xf32>
    %select_n3A = arith.select %ge3A_15, %add3A_13, %mul3A_18 : vector<1000x64xi1>, vector<1000x64xf32>
    %swap3A = arith.constant 0 : index
    %swap3A_19 = arith.constant 0 : index
    %swap3A_20 = vector.load %arg5[%swap3A, %swap3A_19] : memref<1000x64xf32, #tpu.memory_space<vmem>>, vector<1000x64xf32>
    tpu.vector_store %arg5[%swap3A, %swap3A_19], %select_n3A {strides = array<i32>} : memref<1000x64xf32, #tpu.memory_space<vmem>>, vector<1000x64xf32>,
    return
  }
  func.func @transform_0(%arg0: i32) -> (i32, i32) {
    %c0_i32 = arith.constant 0 : i32
    %c0_i32_0 = arith.constant 0 : i32
    return %arg0, %c0_i32 : i32, i32
  }
  func.func @transform_1(%arg0: i32) -> (i32, i32) {
    %c0_i32 = arith.constant 0 : i32
    %c0_i32_0 = arith.constant 0 : i32
    return %arg0, %c0_i32 : i32, i32
  }
  func.func @transform_2(%arg0: i32) -> (i32, i32) {
    %c0_i32 = arith.constant 0 : i32
    %c0_i32_0 = arith.constant 0 : i32
    %c0_i32_1 = arith.constant 0 : i32
    return %c0_i32, %c0_i32_0 : i32, i32
  }
  func.func @transform_3(%arg0: i32) -> (i32, i32) {
    %c0_i32 = arith.constant 0 : i32
    %c0_i32_0 = arith.constant 0 : i32
    %c0_i32_1 = arith.constant 0 : i32
    return %c0_i32, %c0_i32_0 : i32, i32
  }
  func.func @transform_4(%arg0: i32) -> (i32, i32) {
    %c0_i32 = arith.constant 0 : i32
    %c0_i32_0 = arith.constant 0 : i32
    return %arg0, %c0_i32 : i32, i32
  }
}

</mosaic_0001>

<sc_bundles>
// kernel: kernel.15.cloned.1.call-start
scs
__scs_entry_jumppad:
0x0: {  	(pc) =	sbr.rel $0x88, $3  }
0x1: {  	(tag) =	ssettag $0x0;
	lr =	simm.s32 $0x1  }
0x2: {  	[smem:$0x3F96] =	sst lr;
	_ =	strace $0xD0000000  }
0x3: {  	_ = 	snop  }
0x4: {  	_ = 	snop  }
0x5: {  	_ = 	snop  }
0x6: {  	_ = 	snop  }
0x7: {  	_ = 	snop  }
__scs_overlays_trampoline_lowered:
0x8: {  	[smem:$0x3FA5] =	sst s0  }
0x9: {  	[smem:$0x3FA6] =	sst s1  }
0xa: {  	[smem:$0x3FA7] =	sst s2  }
0xb: {  	[smem:$0x3FA8] =	sst s3  }
0xc: {  	[smem:$0x3FA9] =	sst s4  }
0xd: {  	[smem:$0x3FAA] =	sst s5  }
0xe: {  	[smem:$0x3FAB] =	sst s6  }
0xf: {  	[smem:$0x3FAC] =	sst s7  }
0x10: {  	[smem:$0x3FAD] =	sst s8  }
0x11: {  	[smem:$0x3FAE] =	sst s9;
	s0 =	simm.s32 @!p0 $0x0  }
0x12: {  	s1 =	sld [smem:$0x3F94];
	s0 =	simm.s32 @p0 $0x1  }
0x13: {  	[smem:$0x3FAF] =	sst s0;
	s0 =	simm.s32 @!p1 $0x0  }
0x14: {  	s2 =	sld [smem:$0x3F93];
	s0 =	simm.s32 @p1 $0x1  }
0x15: {  	[smem:$0x3FB0] =	sst s0;
	s0 =	simm.s32 @!p2 $0x0  }
0x16: {  	s3 =	sld [smem:$0x3FDB];
	s0 =	simm.s32 @p2 $0x1  }
0x17: {  	s4 =	simm.s32 $0x1BF5;
	[smem:$0x3FB2] =	sst s0  }
0x18: {  	s0 =	sld [smem:$0x3F95];
	_ =	swait.ge [sflag:s4], $0x0  }
0x19: {  	s7 =	sld [smem:$0x3F96]  }
0x1a: {  	s8 =	sadd.s32 $0xFFFFE003, lr  }
0x1b: {  	s9 =	sadd.s32 $0xFFFFFEF7, lr;
	s5 =	simm.s32 $0xFFFFFFFF;
	p2 =	slt.u32 s8, $0xFFFFF086  }
0x1c: {  	p1 =	slt.u32 s9, $0xF7A;
	s5 =	simm.s32 @!p2 $0x0  }
0x1d: {  	s5 =	simm.s32 @p1 $0x1;
	p0 =	seq.s32 s7, s2  }
0x1e: {  	s7 =	smul.u32 @!p0 $0xF7A, s2;
	p2 =	seq.s32 @!p0 s5, $0x0  }
0x1f: {  	s9 =	smul.u32 $0xF7A, s1;
	s8 =	simm.s32 @!p0 $0x1BF5;
	p2 =	por !p2, p0  }
0x20: {  	[sflag:s8] =	ssyncset.s32 @!p0 $0xFFFFF086;
	s6 =	sadd.s32 @!p0 s3, s7;
	s7 =	simm.s32 @!p0 $0x108  }
0x21: {  	s3 =	sadd.s32 s3, s9;
	s6 =	sadd.s32 @!p0 $0x88, s6;
	s7 =	simm.s32 @p2 $0x1082  }
0x22: {  	[simem:s7], [sflag:s8] =	dma.local @!p0 [hbm:s6], $0xF7A  }
0x23: {  	s9 =	sor.u32 $0xD0000000, s2;
	s6 =	simm.s32 $0x108;
	_ =	swait.ge @!p0 [sflag:s8], $0x0  }
0x24: {  	s3 =	sadd.s32 $0x88, s3;
	s6 =	simm.s32 @!p1 $0x1082;
	[sflag:s4] =	ssyncset.s32 $0xFFFFF086  }
0x25: {  	[simem:s6], [sflag:s4] =	dma.local [hbm:s3], $0xF7A  }
0x26: {  	[smem:$0x3F96] =	sst s1;
	(tag) =	ssettag s2;
	_ =	strace s9  }
0x27: {  	s1 =	sld [smem:$0x3FA6]  }
0x28: {  	s2 =	sld [smem:$0x3FA7]  }
0x29: {  	s4 =	sld [smem:$0x3FA9]  }
0x2a: {  	p0 =	seq.s32 s5, $0x0;
	s5 =	sld [smem:$0x3FAA]  }
0x2b: {  	s6 =	sld [smem:$0x3FAB]  }
0x2c: {  	s7 =	sld [smem:$0x3FAC]  }
0x2d: {  	s3 =	simm.s32 $0x108;
	s8 =	sld [smem:$0x3FAD]  }
0x2e: {  	s3 =	simm.s32 @!p0 $0x1082;
	s9 =	sld [smem:$0x3FAE]  }
0x2f: {  	lr =	sadd.s32 s0, s3;
	s0 =	sld [smem:$0x3FA5]  }
0x30: {  	s3 =	sld [smem:$0x3FA8]  }
0x31: {  	[smem:$0x3FB1] =	sst s10  }
0x32: {  	s10 =	sld [smem:$0x3FAF];
	_ =	sdelay $0x3  }
0x33: {  	p0 =	seq.s32 s10, $0x1;
	s10 =	sld [smem:$0x3FB1];
	_ =	sdelay $0x3  }
0x34: {  	[smem:$0x3FB1] =	sst s10  }
0x35: {  	s10 =	sld [smem:$0x3FB0];
	_ =	sdelay $0x3  }
0x36: {  	p1 =	seq.s32 s10, $0x1;
	s10 =	sld [smem:$0x3FB1];
	_ =	sdelay $0x3  }
0x37: {  	[smem:$0x3FB1] =	sst s10  }
0x38: {  	s10 =	sld [smem:$0x3FB2]  }
0x39: {  	_ = 	snop;
	(pc) =	sbr.ind lr, $3  }
0x3a: {  	_ = 	snop  }
0x3b: {  	_ = 	snop  }
0x3c: {  	p2 =	seq.s32 s10, $0x1;
	s10 =	sld [smem:$0x3FB1]  }
0x3d: {  	_ =	shalt  }
0x3e: {  	_ =	shalt  }
0x3f: {  	_ =	shalt  }
0x40: {  	_ =	shalt  }
0x41: {  	_ =	shalt  }
0x42: {  	_ =	shalt  }
0x43: {  	_ =	shalt  }
0x44: {  	_ =	shalt  }
0x45: {  	_ =	shalt  }
0x46: {  	_ =	shalt  }
0x47: {  	_ =	shalt  }
0x48: {  	_ =	shalt  }
0x49: {  	_ =	shalt  }
0x4a: {  	_ =	shalt  }
0x4b: {  	_ =	shalt  }
0x4c: {  	_ =	shalt  }
0x4d: {  	_ =	shalt  }
0x4e: {  	_ =	shalt  }
0x4f: {  	_ =	shalt  }
0x50: {  	_ =	shalt  }
0x51: {  	_ =	shalt  }
0x52: {  	_ =	shalt  }
0x53: {  	_ =	shalt  }
0x54: {  	_ =	shalt  }
0x55: {  	_ =	shalt  }
0x56: {  	_ =	shalt  }
0x57: {  	_ =	shalt  }
0x58: {  	_ =	shalt  }
0x59: {  	_ =	shalt  }
0x5a: {  	_ =	shalt  }
0x5b: {  	_ =	shalt  }
0x5c: {  	_ =	shalt  }
0x5d: {  	_ =	shalt  }
0x5e: {  	_ =	shalt  }
0x5f: {  	_ =	shalt  }
0x60: {  	_ =	shalt  }
0x61: {  	_ =	shalt  }
0x62: {  	_ =	shalt  }
0x63: {  	_ =	shalt  }
0x64: {  	_ =	shalt  }
0x65: {  	_ =	shalt  }
0x66: {  	_ =	shalt  }
0x67: {  	_ =	shalt  }
0x68: {  	_ =	shalt  }
0x69: {  	_ =	shalt  }
0x6a: {  	_ =	shalt  }
0x6b: {  	_ =	shalt  }
0x6c: {  	_ =	shalt  }
0x6d: {  	_ =	shalt  }
0x6e: {  	_ =	shalt  }
0x6f: {  	_ =	shalt  }
0x70: {  	_ =	shalt  }
0x71: {  	_ =	shalt  }
0x72: {  	_ =	shalt  }
0x73: {  	_ =	shalt  }
0x74: {  	_ =	shalt  }
0x75: {  	_ =	shalt  }
0x76: {  	_ =	shalt  }
0x77: {  	_ =	shalt  }
0x78: {  	_ =	shalt  }
0x79: {  	_ =	shalt  }
0x7a: {  	_ =	shalt  }
0x7b: {  	_ =	shalt  }
0x7c: {  	_ =	shalt  }
0x7d: {  	_ =	shalt  }
0x7e: {  	_ =	shalt  }
0x7f: {  	_ =	shalt  }
0x80: {  	_ =	shalt  }
0x81: {  	_ =	shalt  }
0x82: {  	_ =	shalt  }
0x83: {  	_ =	shalt  }
0x84: {  	_ =	shalt  }
0x85: {  	_ =	shalt  }
0x86: {  	_ =	shalt  }
0x87: {  	_ =	shalt  }
.Lfunc_end0:
.L_simem_size_0:
called_computation_lowered:
.L_overlay_start_0:
0x88: {  	s2 =	sld [smem:$0x3FD9]  }
0x89: {  	s3 =	sld [smem:$0x3FFE];
	_ =	sdelay $0x1  }
0x8a: {  	s1 =	srdreg.scid  }
0x8b: {  	s0 =	sand.u32 $0x1, s1  }
0x8c: {  	s17 =	sshll.u32 s0, $0xA;
	s2 =	sadd.s32 s3, s2  }
0x8d: {  	s2 =	sadd.s32 s2, s17  }
0x8e: {  	[smem:$0x3FBD] =	sst s2  }
0x8f: {  	_ = 	snop  }
0x90: {  	s2 =	sld [smem:$0x3FD0];
	(tm) =	ssettm $0x1  }
0x91: {  	s18 =	sld [smem:$0x3FFB];
	_ =	sdelay $0x3  }
0x92: {  	_ =	strace s18  }
0x93: {  	s3 =	sld [smem:$0x3FFC];
	_ =	sdelay $0x3  }
0x94: {  	_ =	strace s3  }
0x95: {  	s3 =	sld [smem:$0x3FFD];
	_ =	sdelay $0x3  }
0x96: {  	_ =	strace s3  }
0x97: {  	_ =	strace $0x8FFFFFFF  }
0x98: {  	s19 =	sld [smem:$0x3FDB];
	_ =	sdelay $0x1  }
0x99: {  	s4 =	simm.s32 $_scs_section_size  }
0x9a: {  	s5 =	simm.s32 $_size__tile_overlayer_lowered;
	s6 =	simm.s32 $_tile_overlayer_lowered  }
0x9b: {  	s22 =	simm.s32 $0x1BFF;
	s21 =	sshll.u32 s6, $0x1;
	s3 =	sadd.s32 s4, s19  }
0x9c: {  	s7 =	simm.s32 $0x0;
	s20 =	sshll.u32 s5, $0x1;
	s5 =	sadd.s32 s21, s3  }
0x9d: {  	[timem:s7], [sflag:s22] =	dma.local [hbm:s5], s20  }
0x9e: {  	_ =	swait.ge [sflag:s22], s20  }
0x9f: {  	s4 =	ssub.s32 $0x0, s20;
	[sflag:s22] =	ssyncset.done $0x0  }
0xa0: {  	[sflag:s22] =	ssyncadd.s32 s4;
	_ =	sdelay $0x1  }
0xa1: {  	s23 =	simm.s32 $0x1B8B  }
0xa2: {  	_ =	swait.ge [sflag:s23], $0x1  }
0xa3: {  	[sflag:s23] =	ssyncset.done $0x0  }
0xa4: {  	s25 =	simm.s32 $0x1B8E;
	s24 =	sld [smem:$0x3FFE];
	[sflag:s23] =	ssyncadd.s32 $0xFFFFFFFF  }
0xa5: {  	s26 =	simm.s32 $execute0_lowered;
	[smem:$0x3FD2] =	sst s25  }
0xa6: {  	s5 =	sshll.u32 s26, $0x1;
	_ =	strace $0x80000046;
	[dreg:$0x1] =	wrdreg $0xFFFFFFFF  }
0xa7: {  	s28 =	simm.s32 $_size_execute0_lowered;
	s3 =	sadd.s32 s3, s5;
	[dreg:$0x0] =	wrdreg $0x0  }
0xa8: {  	s5 =	sshll.u32 s28, $0x1;
	[dreg:$0x2] =	wrdreg s3  }
0xa9: {  	[dreg:$0x3] =	wrdreg s5  }
0xaa: {  	[dreg:$0x4] =	wrdreg $0xC0  }
0xab: {  	_ =	task [dreg:s7], $0x5FFFF  }
0xac: {  	[dreg:$0x1] =	wrdreg $0xFFFFFFFF  }
0xad: {  	[dreg:$0x0] =	wrdreg $0x60  }
0xae: {  	[dreg:$0x2] =	wrdreg s2  }
0xaf: {  	[dreg:$0x3] =	wrdreg s24  }
0xb0: {  	[dreg:$0x4] =	wrdreg $0x9  }
0xb1: {  	_ =	task.clear_ibuf [dreg:s7], $0x5FFFF;
	_ =	strace $0x90000046  }
0xb2: {  	s29 =	simm.s32 $0x9;
	_ =	strace $0x80000048  }
0xb3: {  	_ =	swait.ge [sflag:s29], $0x1  }
0xb4: {  	[sflag:s29] =	ssyncadd.s32 $0xFFFFFFFF  }
0xb5: {  	_ =	strace $0x90000048  }
0xb6: {  	_ =	sfence  }
0xb7: {  	s30 =	sld [smem:$0x0];
	_ =	sdelay $0x2  }
0xb8: {  	s31 =	sshll.u32 s1, $0xD;
	s1 =	sshrl.u32 s1, $0x2  }
0xb9: {  	s3 =	sand.u32 $0x4000, s31;
	s1 =	sadd.s32 s1, s30  }
0xba: {  	s0 =	sor.u32 s3, s0;
	s1 =	sshll.u32 s1, $0x11  }
0xbb: {  	s0 =	sor.u32 s1, s0  }
0xbc: {  	s0 =	sadd.s32 $0x8F2B, s0  }
0xbd: {  	[sflag:s0] =	ssyncadd.remote.s32 $0x1  }
0xbe: {  	_ =	sfence.sel $0xFFFF  }
0xbf: {  	[dreg:$0x0] =	wrdreg $0xFFFFFFFF;
	(pc) =	sbr.abs _section_cstart, $3  }
0xc0: {  	[dreg:$0x1] =	wrdreg $0xFFFFFFFF  }
0xc1: {  	_ =	task.clear_ibuf [dreg:s7], $0x2FFFF;
	_ =	strace $0x9FFFFFFF  }
0xc2: {  	(tm) =	ssettm $0x7FFFFFFF  }
0xc3: {  	_ =	shalt  }
tec
execute0_lowered:
.L_overlay_start_1:
0x0: {  	(tag) =	ssettag $0x1  }
0x1: {  	s2 =	rddreg [dreg:$0x0];
	s1 =	srdreg.scid  }
0x2: {  	s0 =	stileid.u32;
	s4 =	rddreg [dreg:$0x1]  }
0x3: {  	s3 =	simm.s32 $0x0;
	s14 =	simm.s32 $0x1;
	s10 =	smul.u32 $0x310000, s0  }
0x4: {  	s15 =	simm.s32 $0x2;
	s5 =	sand.u32 $0x1, s1;
	s25 =	smul.u32 $0xC400, s0  }
0x5: {  	s16 =	simm.s32 $0x6180;
	s6 =	sshll.u32 s0, $0x1;
	s12 =	smul.u32 $0x188000, s5  }
0x6: {  	s1 =	rddreg [dreg:$0x2];
	s6 =	sor.u32 s5, s6;
	s28 =	smul.u32 $0x6200, s5  }
0x7: {  	s17 =	simm.s32 $0x0;
	[smem:$0x7FF] =	sst s3;
	s7 =	smul.u32 $0x6200, s6  }
0x8: {  	s13 =	sadd.s32 $0x18B000, s4;
	s9 =	ssub.s32 $0x2, s5;
	s8 =	smul.u32 $0x188000, s6  }
0x9: {  	_ =	strace $0x80000047;
	s11 =	sshrl.u32 s9, $0x1;
	s29 =	smul.u32 $0x31000, s6  }
0xa: {  	s9 =	ssub.s32 s9, s11;
	s30 =	sadd.s32 s12, s10;
	s12 =	simm.s32 $0x6200  }
0xb: {  	s7 =	sshrl.u32 s7, $0x3;
	s26 =	sshrl.u32 s8, $0x3;
	s5 =	smax.u32 s9, $0x1  }
0xc: {  	s8 =	sadd.s32 s28, s25;
	s9 =	sadd.s32 s13, s29;
	s10 =	sshrl.u32 s30, $0x3  }
0xd: {  	s7 =	sadd.s32 s7, s4;
	s11 =	sshll.u32 s8, $0x3;
	s8 =	sadd.s32 s10, s13  }
0xe: {  	s10 =	simm.s32 $0x3;
	s4 =	sadd.s32 $0x4400, s7;
	s7 =	sadd.s32 s13, s26  }
0xf: {  	s31 =	sadd.s32 s11, s13;
	s11 =	simm.s32 $0x80;
	s13 =	simm.s32 $0x8200  }
0x10: {  	s6 =	sadd.s32 $0x30800, s7;
	s7 =	sadd.s32 $0x30C00, s9;
	s9 =	sadd.s32 $0x400, s31  }
.LBB2_1:
0x11: {  	[tilespmem:s3], [sflag:$0x3] =	stream.linear.gather [hbm4b:s4+s3], $0x6200, $0x38;
	[tilespmem:$0xA200] =	vst v63  }
0x12: {  	_ =	swait.ge [sflag:s10], $0x6200  }
0x13: {  	[sflag:s10] =	ssyncset.done $0x0  }
0x14: {  	[sflag:s10] =	ssyncadd.s32 $0xFFFF9E00  }
0x15: {  	[tilespmem:s12], [sflag:$0x1] =	stream.indirect.gather [hbm4b:s2+s11], $0x40, s3, s11, $0xb8;
	[tilespmem:$0xA200] =	vst v63  }
0x16: {  	s18 =	simm.s32 $0x80  }
0x17: {  	[tilespmem:s13], [sflag:$0x2] =	stream.indirect.gather [hbm4b:s2+s11], $0x40, s18, s11, $0xb8;
	[tilespmem:$0xA200] =	vst v63  }
0x18: {  	_ =	swait.ge [sflag:s14], $0x2000  }
0x19: {  	[sflag:s14] =	ssyncset.done $0x0  }
0x1a: {  	s29 =	sadd.s32 $0x0, s8;
	[sflag:s14] =	ssyncadd.s32 $0xFFFFE000  }
0x1b: {  	[hbm4b:s29+s3] =	stream.linear.scatter [tilespmem:s12], [sflag:$0x3], $0x2000, $0x38;
	[tilespmem:$0xA200] =	vst v63  }
0x1c: {  	_ =	swait.ge [sflag:s10], $0x2000  }
0x1d: {  	[sflag:s10] =	ssyncset.done $0x0  }
0x1e: {  	s30 =	simm.s32 $0x100;
	[sflag:s10] =	ssyncadd.s32 $0xFFFFE000  }
0x1f: {  	[tilespmem:s12], [sflag:$0x1] =	stream.indirect.gather [hbm4b:s2+s11], $0x40, s30, s11, $0xb8;
	[tilespmem:$0xA200] =	vst v63  }
0x20: {  	_ =	swait.ge [sflag:s15], $0x2000  }
0x21: {  	[sflag:s15] =	ssyncset.done $0x0  }
0x22: {  	s31 =	sadd.s32 $0x0, s9;
	[sflag:s15] =	ssyncadd.s32 $0xFFFFE000  }
0x23: {  	[hbm4b:s31+s3] =	stream.linear.scatter [tilespmem:s13], [sflag:$0x3], $0x2000, $0x38;
	[tilespmem:$0xA200] =	vst v63  }
0x24: {  	s20 =	simm.s32 $0x1000;
	_ =	swait.ge [sflag:s10], $0x2000  }
0x25: {  	s19 =	simm.s32 $0x200;
	s18 =	simm.s32 $0x800;
	[sflag:s10] =	ssyncset.done $0x0  }
.LBB2_2:
0x26: {  	p0 =	sne.s32 s20, $0x30000;
	s21 =	sadd.s32 $0xFFFFFF80, s19;
	[sflag:s10] =	ssyncadd.s32 $0xFFFFE000  }
0x27: {  	[tilespmem:s13], [sflag:$0x2] =	stream.indirect.gather [hbm4b:s2+s11], $0x40, s21, s11, $0xb8;
	[tilespmem:$0xA200] =	vst v63  }
0x28: {  	s21 =	smov.u32 s20;
	s20 =	sadd.s32 $0x800, s20;
	_ =	swait.ge [sflag:s14], $0x2000  }
0x29: {  	[sflag:s14] =	ssyncset.done $0x0  }
0x2a: {  	s22 =	sadd.s32 s18, s8;
	[sflag:s14] =	ssyncadd.s32 $0xFFFFE000  }
0x2b: {  	[hbm4b:s22+s3] =	stream.linear.scatter [tilespmem:s12], [sflag:$0x3], $0x2000, $0x38;
	[tilespmem:$0xA200] =	vst v63  }
0x2c: {  	_ =	swait.ge [sflag:s10], $0x2000  }
0x2d: {  	[sflag:s10] =	ssyncset.done $0x0  }
0x2e: {  	[sflag:s10] =	ssyncadd.s32 $0xFFFFE000  }
0x2f: {  	[tilespmem:s12], [sflag:$0x1] =	stream.indirect.gather [hbm4b:s2+s11], $0x40, s19, s11, $0xb8;
	[tilespmem:$0xA200] =	vst v63  }
0x30: {  	_ =	swait.ge [sflag:s15], $0x2000  }
.Ltmp0:
0x31: {  	[sflag:s15] =	ssyncset.done $0x0;
	(pc) =	sbr.rel @p0 .LBB2_2-.Ltmp0, $4  }
0x32: {  	s22 =	sadd.s32 s18, s9;
	s18 =	smov.u32 s21;
	[sflag:s15] =	ssyncadd.s32 $0xFFFFE000  }
0x33: {  	[hbm4b:s22+s3] =	stream.linear.scatter [tilespmem:s13], [sflag:$0x3], $0x2000, $0x38;
	[tilespmem:$0xA200] =	vst v63  }
0x34: {  	_ =	swait.ge [sflag:s10], $0x2000  }
0x35: {  	s19 =	sadd.s32 $0x100, s19;
	[sflag:s10] =	ssyncset.done $0x0  }
0x36: {  	s20 =	sadd.s32 $0xFFFFFF80, s19;
	[sflag:s10] =	ssyncadd.s32 $0xFFFFE000  }
0x37: {  	[tilespmem:s13], [sflag:$0x2] =	stream.indirect.gather [hbm4b:s2+s11], $0x40, s20, s11, $0xb8;
	[tilespmem:$0xA200] =	vst v63  }
0x38: {  	_ =	swait.ge [sflag:s14], $0x2000  }
0x39: {  	[sflag:s14] =	ssyncset.done $0x0  }
0x3a: {  	s30 =	sadd.s32 s18, s8;
	[sflag:s14] =	ssyncadd.s32 $0xFFFFE000  }
0x3b: {  	[hbm4b:s30+s3] =	stream.linear.scatter [tilespmem:s12], [sflag:$0x3], $0x2000, $0x38;
	[tilespmem:$0xA200] =	vst v63  }
0x3c: {  	_ =	swait.ge [sflag:s10], $0x2000  }
0x3d: {  	[sflag:s10] =	ssyncset.done $0x0  }
0x3e: {  	[sflag:s10] =	ssyncadd.s32 $0xFFFFE000  }
0x3f: {  	[tilespmem:s12], [sflag:$0x1] =	stream.indirect.gather [hbm4b:s2+s11], $0x40, s19, s11, $0xb8;
	[tilespmem:$0xA200] =	vst v63  }
0x40: {  	_ =	swait.ge [sflag:s15], $0x2000  }
0x41: {  	[sflag:s15] =	ssyncset.done $0x0  }
0x42: {  	s31 =	sadd.s32 s18, s9;
	[sflag:s15] =	ssyncadd.s32 $0xFFFFE000  }
0x43: {  	[hbm4b:s31+s3] =	stream.linear.scatter [tilespmem:s13], [sflag:$0x3], $0x2000, $0x38;
	[tilespmem:$0xA200] =	vst v63  }
0x44: {  	_ =	swait.ge [sflag:s10], $0x2000  }
0x45: {  	[sflag:s10] =	ssyncset.done $0x0  }
0x46: {  	[sflag:s10] =	ssyncadd.s32 $0xFFFFE000  }
0x47: {  	[tilespmem:s13], [sflag:$0x2] =	stream.indirect.gather [hbm4b:s2+s11], $0x40, s16, s11, $0xb8;
	[tilespmem:$0xA200] =	vst v63  }
0x48: {  	_ =	swait.ge [sflag:s14], $0x2000  }
0x49: {  	[sflag:s14] =	ssyncset.done $0x0  }
0x4a: {  	[sflag:s14] =	ssyncadd.s32 $0xFFFFE000  }
0x4b: {  	[hbm4b:s6+s3] =	stream.linear.scatter [tilespmem:s12], [sflag:$0x3], $0x2000, $0x38;
	[tilespmem:$0xA200] =	vst v63  }
0x4c: {  	_ =	swait.ge [sflag:s10], $0x2000  }
0x4d: {  	[sflag:s10] =	ssyncset.done $0x0  }
0x4e: {  	[sflag:s10] =	ssyncadd.s32 $0xFFFFE000  }
0x4f: {  	s17 =	sadd.s32 $0x1, s17;
	_ =	swait.ge [sflag:s15], $0x2000  }
0x50: {  	p0 =	sne.s32 s17, s5;
	[sflag:s15] =	ssyncset.done $0x0  }
.Ltmp1:
0x51: {  	[sflag:s15] =	ssyncadd.s32 $0xFFFFE000;
	(pc) =	sbr.rel @p0 .LBB2_1-.Ltmp1, $4  }
0x52: {  	[hbm4b:s7+s3] =	stream.linear.scatter [tilespmem:s13], [sflag:$0x3], $0x2000, $0x38;
	[tilespmem:$0xA200] =	vst v63  }
0x53: {  	_ =	swait.ge [sflag:s10], $0x2000  }
0x54: {  	[sflag:s10] =	ssyncset.done $0x0  }
0x55: {  	[sflag:s10] =	ssyncadd.s32 $0xFFFFE000  }
0x56: {  	_ =	sfence.sel $0x180000  }
0x57: {  	[bflag:$0x0] =	sbarrier.arrive $0xFFFF  }
0x58: {  	p0 =	sne.s32 s0, $0x0;
	_ =	strace $0x90000047  }
0x59: {  	s0 =	sadd.s32 @!p0 $0x100000, s1;
	[bflag:$0x2] =	sbarrier.arrive $0xFFFF  }
0x5a: {  	[sflag:s0] =	ssyncadd.tile.s32 @!p0 $0x1;
	_ =	shalt  }
.Lfunc_end2:
_tile_overlayer_lowered:
.L_overlay_start_2:
0x5b: {  	(tag) =	ssettag $0x2  }
0x5c: {  	s0 =	rddreg [dreg:$0x0];
	s2 =	stileid.u32  }
0x5d: {  	s1 =	rddreg [dreg:$0x1];
	p0 =	sne.s32 s2, $0x0  }
0x5e: {  	s3 =	rddreg [dreg:$0x2];
	[bflag:$0x3] =	sbarrier.arrive $0xFFFF;
	s2 =	simm.s32 @!p0 $0x1C03  }
0x5f: {  	[timem:s3], [sflag:s2] =	dma.local @!p0 [hbm:s0], s1  }
0x60: {  	s0 =	simm.s32 @!p0 $0x3  }
0x61: {  	_ =	swait.ge @!p0 [sflag:s0], s1  }
0x62: {  	s1 =	ssub.s32 @!p0 $0x0, s1;
	[sflag:s0] =	ssyncset.done @!p0 $0x0  }
0x63: {  	[sflag:s0] =	ssyncadd.s32 @!p0 s1  }
0x64: {  	[bflag:$0x3] =	sbarrier.arrive $0xFFFF  }
0x65: {  	_ =	shalt  }

// kernel: kernel.18.cloned.1.call-start
scs
__scs_entry_jumppad:
0x0: {  	(pc) =	sbr.rel $0x88, $3  }
0x1: {  	(tag) =	ssettag $0x0;
	lr =	simm.s32 $0x1  }
0x2: {  	[smem:$0x3F96] =	sst lr;
	_ =	strace $0xD0000000  }
0x3: {  	_ = 	snop  }
0x4: {  	_ = 	snop  }
0x5: {  	_ = 	snop  }
0x6: {  	_ = 	snop  }
0x7: {  	_ = 	snop  }
__scs_overlays_trampoline_lowered:
0x8: {  	[smem:$0x3FA5] =	sst s0  }
0x9: {  	[smem:$0x3FA6] =	sst s1  }
0xa: {  	[smem:$0x3FA7] =	sst s2  }
0xb: {  	[smem:$0x3FA8] =	sst s3  }
0xc: {  	[smem:$0x3FA9] =	sst s4  }
0xd: {  	[smem:$0x3FAA] =	sst s5  }
0xe: {  	[smem:$0x3FAB] =	sst s6  }
0xf: {  	[smem:$0x3FAC] =	sst s7  }
0x10: {  	[smem:$0x3FAD] =	sst s8  }
0x11: {  	[smem:$0x3FAE] =	sst s9;
	s0 =	simm.s32 @!p0 $0x0  }
0x12: {  	s1 =	sld [smem:$0x3F94];
	s0 =	simm.s32 @p0 $0x1  }
0x13: {  	[smem:$0x3FAF] =	sst s0;
	s0 =	simm.s32 @!p1 $0x0  }
0x14: {  	s2 =	sld [smem:$0x3F93];
	s0 =	simm.s32 @p1 $0x1  }
0x15: {  	[smem:$0x3FB0] =	sst s0;
	s0 =	simm.s32 @!p2 $0x0  }
0x16: {  	s3 =	sld [smem:$0x3FDB];
	s0 =	simm.s32 @p2 $0x1  }
0x17: {  	s4 =	simm.s32 $0x1BF5;
	[smem:$0x3FB2] =	sst s0  }
0x18: {  	s0 =	sld [smem:$0x3F95];
	_ =	swait.ge [sflag:s4], $0x0  }
0x19: {  	s7 =	sld [smem:$0x3F96]  }
0x1a: {  	s8 =	sadd.s32 $0xFFFFE003, lr  }
0x1b: {  	s9 =	sadd.s32 $0xFFFFFEF7, lr;
	s5 =	simm.s32 $0xFFFFFFFF;
	p2 =	slt.u32 s8, $0xFFFFF086  }
0x1c: {  	p1 =	slt.u32 s9, $0xF7A;
	s5 =	simm.s32 @!p2 $0x0  }
0x1d: {  	s5 =	simm.s32 @p1 $0x1;
	p0 =	seq.s32 s7, s2  }
0x1e: {  	s7 =	smul.u32 @!p0 $0xF7A, s2;
	p2 =	seq.s32 @!p0 s5, $0x0  }
0x1f: {  	s9 =	smul.u32 $0xF7A, s1;
	s8 =	simm.s32 @!p0 $0x1BF5;
	p2 =	por !p2, p0  }
0x20: {  	[sflag:s8] =	ssyncset.s32 @!p0 $0xFFFFF086;
	s6 =	sadd.s32 @!p0 s3, s7;
	s7 =	simm.s32 @!p0 $0x108  }
0x21: {  	s3 =	sadd.s32 s3, s9;
	s6 =	sadd.s32 @!p0 $0x88, s6;
	s7 =	simm.s32 @p2 $0x1082  }
0x22: {  	[simem:s7], [sflag:s8] =	dma.local @!p0 [hbm:s6], $0xF7A  }
0x23: {  	s9 =	sor.u32 $0xD0000000, s2;
	s6 =	simm.s32 $0x108;
	_ =	swait.ge @!p0 [sflag:s8], $0x0  }
0x24: {  	s3 =	sadd.s32 $0x88, s3;
	s6 =	simm.s32 @!p1 $0x1082;
	[sflag:s4] =	ssyncset.s32 $0xFFFFF086  }
0x25: {  	[simem:s6], [sflag:s4] =	dma.local [hbm:s3], $0xF7A  }
0x26: {  	[smem:$0x3F96] =	sst s1;
	(tag) =	ssettag s2;
	_ =	strace s9  }
0x27: {  	s1 =	sld [smem:$0x3FA6]  }
0x28: {  	s2 =	sld [smem:$0x3FA7]  }
0x29: {  	s4 =	sld [smem:$0x3FA9]  }
0x2a: {  	p0 =	seq.s32 s5, $0x0;
	s5 =	sld [smem:$0x3FAA]  }
0x2b: {  	s6 =	sld [smem:$0x3FAB]  }
0x2c: {  	s7 =	sld [smem:$0x3FAC]  }
0x2d: {  	s3 =	simm.s32 $0x108;
	s8 =	sld [smem:$0x3FAD]  }
0x2e: {  	s3 =	simm.s32 @!p0 $0x1082;
	s9 =	sld [smem:$0x3FAE]  }
0x2f: {  	lr =	sadd.s32 s0, s3;
	s0 =	sld [smem:$0x3FA5]  }
0x30: {  	s3 =	sld [smem:$0x3FA8]  }
0x31: {  	[smem:$0x3FB1] =	sst s10  }
0x32: {  	s10 =	sld [smem:$0x3FAF];
	_ =	sdelay $0x3  }
0x33: {  	p0 =	seq.s32 s10, $0x1;
	s10 =	sld [smem:$0x3FB1];
	_ =	sdelay $0x3  }
0x34: {  	[smem:$0x3FB1] =	sst s10  }
0x35: {  	s10 =	sld [smem:$0x3FB0];
	_ =	sdelay $0x3  }
0x36: {  	p1 =	seq.s32 s10, $0x1;
	s10 =	sld [smem:$0x3FB1];
	_ =	sdelay $0x3  }
0x37: {  	[smem:$0x3FB1] =	sst s10  }
0x38: {  	s10 =	sld [smem:$0x3FB2]  }
0x39: {  	_ = 	snop;
	(pc) =	sbr.ind lr, $3  }
0x3a: {  	_ = 	snop  }
0x3b: {  	_ = 	snop  }
0x3c: {  	p2 =	seq.s32 s10, $0x1;
	s10 =	sld [smem:$0x3FB1]  }
0x3d: {  	_ =	shalt  }
0x3e: {  	_ =	shalt  }
0x3f: {  	_ =	shalt  }
0x40: {  	_ =	shalt  }
0x41: {  	_ =	shalt  }
0x42: {  	_ =	shalt  }
0x43: {  	_ =	shalt  }
0x44: {  	_ =	shalt  }
0x45: {  	_ =	shalt  }
0x46: {  	_ =	shalt  }
0x47: {  	_ =	shalt  }
0x48: {  	_ =	shalt  }
0x49: {  	_ =	shalt  }
0x4a: {  	_ =	shalt  }
0x4b: {  	_ =	shalt  }
0x4c: {  	_ =	shalt  }
0x4d: {  	_ =	shalt  }
0x4e: {  	_ =	shalt  }
0x4f: {  	_ =	shalt  }
0x50: {  	_ =	shalt  }
0x51: {  	_ =	shalt  }
0x52: {  	_ =	shalt  }
0x53: {  	_ =	shalt  }
0x54: {  	_ =	shalt  }
0x55: {  	_ =	shalt  }
0x56: {  	_ =	shalt  }
0x57: {  	_ =	shalt  }
0x58: {  	_ =	shalt  }
0x59: {  	_ =	shalt  }
0x5a: {  	_ =	shalt  }
0x5b: {  	_ =	shalt  }
0x5c: {  	_ =	shalt  }
0x5d: {  	_ =	shalt  }
0x5e: {  	_ =	shalt  }
0x5f: {  	_ =	shalt  }
0x60: {  	_ =	shalt  }
0x61: {  	_ =	shalt  }
0x62: {  	_ =	shalt  }
0x63: {  	_ =	shalt  }
0x64: {  	_ =	shalt  }
0x65: {  	_ =	shalt  }
0x66: {  	_ =	shalt  }
0x67: {  	_ =	shalt  }
0x68: {  	_ =	shalt  }
0x69: {  	_ =	shalt  }
0x6a: {  	_ =	shalt  }
0x6b: {  	_ =	shalt  }
0x6c: {  	_ =	shalt  }
0x6d: {  	_ =	shalt  }
0x6e: {  	_ =	shalt  }
0x6f: {  	_ =	shalt  }
0x70: {  	_ =	shalt  }
0x71: {  	_ =	shalt  }
0x72: {  	_ =	shalt  }
0x73: {  	_ =	shalt  }
0x74: {  	_ =	shalt  }
0x75: {  	_ =	shalt  }
0x76: {  	_ =	shalt  }
0x77: {  	_ =	shalt  }
0x78: {  	_ =	shalt  }
0x79: {  	_ =	shalt  }
0x7a: {  	_ =	shalt  }
0x7b: {  	_ =	shalt  }
0x7c: {  	_ =	shalt  }
0x7d: {  	_ =	shalt  }
0x7e: {  	_ =	shalt  }
0x7f: {  	_ =	shalt  }
0x80: {  	_ =	shalt  }
0x81: {  	_ =	shalt  }
0x82: {  	_ =	shalt  }
0x83: {  	_ =	shalt  }
0x84: {  	_ =	shalt  }
0x85: {  	_ =	shalt  }
0x86: {  	_ =	shalt  }
0x87: {  	_ =	shalt  }
.Lfunc_end0:
.L_simem_size_0:
called_computation.1_lowered:
.L_overlay_start_0:
0x88: {  	s2 =	sld [smem:$0x3FD9]  }
0x89: {  	s3 =	sld [smem:$0x3FFE];
	_ =	sdelay $0x1  }
0x8a: {  	s1 =	srdreg.scid  }
0x8b: {  	s0 =	sand.u32 $0x1, s1  }
0x8c: {  	s17 =	sshll.u32 s0, $0xA;
	s2 =	sadd.s32 s3, s2  }
0x8d: {  	s2 =	sadd.s32 s2, s17  }
0x8e: {  	[smem:$0x3FBD] =	sst s2  }
0x8f: {  	_ = 	snop  }
0x90: {  	s2 =	sld [smem:$0x3FD0];
	(tm) =	ssettm $0x1  }
0x91: {  	s18 =	sld [smem:$0x3FFB];
	_ =	sdelay $0x3  }
0x92: {  	_ =	strace s18  }
0x93: {  	s3 =	sld [smem:$0x3FFC];
	_ =	sdelay $0x3  }
0x94: {  	_ =	strace s3  }
0x95: {  	s3 =	sld [smem:$0x3FFD];
	_ =	sdelay $0x3  }
0x96: {  	_ =	strace s3  }
0x97: {  	_ =	strace $0x8FFFFFFF  }
0x98: {  	s19 =	sld [smem:$0x3FDB];
	_ =	sdelay $0x1  }
0x99: {  	s4 =	simm.s32 $_scs_section_size  }
0x9a: {  	s5 =	simm.s32 $_size__tile_overlayer_lowered;
	s6 =	simm.s32 $_tile_overlayer_lowered  }
0x9b: {  	s22 =	simm.s32 $0x1BFF;
	s21 =	sshll.u32 s6, $0x1;
	s3 =	sadd.s32 s4, s19  }
0x9c: {  	s7 =	simm.s32 $0x0;
	s20 =	sshll.u32 s5, $0x1;
	s5 =	sadd.s32 s21, s3  }
0x9d: {  	[timem:s7], [sflag:s22] =	dma.local [hbm:s5], s20  }
0x9e: {  	_ =	swait.ge [sflag:s22], s20  }
0x9f: {  	s4 =	ssub.s32 $0x0, s20;
	[sflag:s22] =	ssyncset.done $0x0  }
0xa0: {  	[sflag:s22] =	ssyncadd.s32 s4;
	_ =	sdelay $0x1  }
0xa1: {  	s23 =	simm.s32 $0x1B8B  }
0xa2: {  	_ =	swait.ge [sflag:s23], $0x1  }
0xa3: {  	[sflag:s23] =	ssyncset.done $0x0  }
0xa4: {  	s25 =	simm.s32 $0x1B8E;
	s24 =	sld [smem:$0x3FFE];
	[sflag:s23] =	ssyncadd.s32 $0xFFFFFFFF  }
0xa5: {  	s26 =	simm.s32 $execute0_lowered;
	[smem:$0x3FD2] =	sst s25  }
0xa6: {  	s5 =	sshll.u32 s26, $0x1;
	_ =	strace $0x80000049;
	[dreg:$0x1] =	wrdreg $0xFFFFFFFF  }
0xa7: {  	s28 =	simm.s32 $_size_execute0_lowered;
	s3 =	sadd.s32 s3, s5;
	[dreg:$0x0] =	wrdreg $0x0  }
0xa8: {  	s5 =	sshll.u32 s28, $0x1;
	[dreg:$0x2] =	wrdreg s3  }
0xa9: {  	[dreg:$0x3] =	wrdreg s5  }
0xaa: {  	[dreg:$0x4] =	wrdreg $0xC0  }
0xab: {  	_ =	task [dreg:s7], $0x5FFFF  }
0xac: {  	[dreg:$0x1] =	wrdreg $0xFFFFFFFF  }
0xad: {  	[dreg:$0x0] =	wrdreg $0x60  }
0xae: {  	[dreg:$0x2] =	wrdreg s2  }
0xaf: {  	[dreg:$0x3] =	wrdreg s24  }
0xb0: {  	[dreg:$0x4] =	wrdreg $0x9  }
0xb1: {  	_ =	task.clear_ibuf [dreg:s7], $0x5FFFF;
	_ =	strace $0x90000049  }
0xb2: {  	s29 =	simm.s32 $0x9;
	_ =	strace $0x8000004B  }
0xb3: {  	_ =	swait.ge [sflag:s29], $0x1  }
0xb4: {  	[sflag:s29] =	ssyncadd.s32 $0xFFFFFFFF  }
0xb5: {  	_ =	strace $0x9000004B  }
0xb6: {  	_ =	sfence  }
0xb7: {  	s30 =	sld [smem:$0x0];
	_ =	sdelay $0x2  }
0xb8: {  	s31 =	sshll.u32 s1, $0xD;
	s1 =	sshrl.u32 s1, $0x2  }
0xb9: {  	s3 =	sand.u32 $0x4000, s31;
	s1 =	sadd.s32 s1, s30  }
0xba: {  	s0 =	sor.u32 s3, s0;
	s1 =	sshll.u32 s1, $0x11  }
0xbb: {  	s0 =	sor.u32 s1, s0  }
0xbc: {  	s0 =	sadd.s32 $0x8F2B, s0  }
0xbd: {  	[sflag:s0] =	ssyncadd.remote.s32 $0x1  }
0xbe: {  	_ =	sfence.sel $0xFFFF  }
0xbf: {  	[dreg:$0x0] =	wrdreg $0xFFFFFFFF;
	(pc) =	sbr.abs _section_cstart, $3  }
0xc0: {  	[dreg:$0x1] =	wrdreg $0xFFFFFFFF  }
0xc1: {  	_ =	task.clear_ibuf [dreg:s7], $0x2FFFF;
	_ =	strace $0x9FFFFFFF  }
0xc2: {  	(tm) =	ssettm $0x7FFFFFFF  }
0xc3: {  	_ =	shalt  }
tec
execute0_lowered:
.L_overlay_start_1:
0x0: {  	(tag) =	ssettag $0x1  }
0x1: {  	s2 =	rddreg [dreg:$0x0];
	s1 =	srdreg.scid  }
0x2: {  	s0 =	stileid.u32;
	s4 =	rddreg [dreg:$0x1]  }
0x3: {  	s3 =	simm.s32 $0x0;
	s14 =	simm.s32 $0x1;
	s10 =	smul.u32 $0x310000, s0  }
0x4: {  	s15 =	simm.s32 $0x2;
	s5 =	sand.u32 $0x1, s1;
	s25 =	smul.u32 $0xC400, s0  }
0x5: {  	s16 =	simm.s32 $0x6180;
	s6 =	sshll.u32 s0, $0x1;
	s12 =	smul.u32 $0x188000, s5  }
0x6: {  	s1 =	rddreg [dreg:$0x2];
	s6 =	sor.u32 s5, s6;
	s28 =	smul.u32 $0x6200, s5  }
0x7: {  	s17 =	simm.s32 $0x0;
	[smem:$0x7FF] =	sst s3;
	s7 =	smul.u32 $0x6200, s6  }
0x8: {  	s13 =	sadd.s32 $0x24E600, s4;
	s9 =	ssub.s32 $0x2, s5;
	s8 =	smul.u32 $0x188000, s6  }
0x9: {  	_ =	strace $0x8000004A;
	s11 =	sshrl.u32 s9, $0x1;
	s29 =	smul.u32 $0x31000, s6  }
0xa: {  	s9 =	ssub.s32 s9, s11;
	s30 =	sadd.s32 s12, s10;
	s12 =	simm.s32 $0x6200  }
0xb: {  	s7 =	sshrl.u32 s7, $0x3;
	s26 =	sshrl.u32 s8, $0x3;
	s5 =	smax.u32 s9, $0x1  }
0xc: {  	s8 =	sadd.s32 s28, s25;
	s9 =	sadd.s32 s13, s29;
	s10 =	sshrl.u32 s30, $0x3  }
0xd: {  	s7 =	sadd.s32 s7, s4;
	s11 =	sshll.u32 s8, $0x3;
	s8 =	sadd.s32 s10, s13  }
0xe: {  	s10 =	simm.s32 $0x3;
	s4 =	sadd.s32 $0x4400, s7;
	s7 =	sadd.s32 s13, s26  }
0xf: {  	s31 =	sadd.s32 s11, s13;
	s11 =	simm.s32 $0x80;
	s13 =	simm.s32 $0x8200  }
0x10: {  	s6 =	sadd.s32 $0x30800, s7;
	s7 =	sadd.s32 $0x30C00, s9;
	s9 =	sadd.s32 $0x400, s31  }
.LBB2_1:
0x11: {  	[tilespmem:s3], [sflag:$0x3] =	stream.linear.gather [hbm4b:s4+s3], $0x6200, $0x38;
	[tilespmem:$0xA200] =	vst v63  }
0x12: {  	_ =	swait.ge [sflag:s10], $0x6200  }
0x13: {  	[sflag:s10] =	ssyncset.done $0x0  }
0x14: {  	[sflag:s10] =	ssyncadd.s32 $0xFFFF9E00  }
0x15: {  	[tilespmem:s12], [sflag:$0x1] =	stream.indirect.gather [hbm4b:s2+s11], $0x40, s3, s11, $0xb8;
	[tilespmem:$0xA200] =	vst v63  }
0x16: {  	s18 =	simm.s32 $0x80  }
0x17: {  	[tilespmem:s13], [sflag:$0x2] =	stream.indirect.gather [hbm4b:s2+s11], $0x40, s18, s11, $0xb8;
	[tilespmem:$0xA200] =	vst v63  }
0x18: {  	_ =	swait.ge [sflag:s14], $0x2000  }
0x19: {  	[sflag:s14] =	ssyncset.done $0x0  }
0x1a: {  	s29 =	sadd.s32 $0x0, s8;
	[sflag:s14] =	ssyncadd.s32 $0xFFFFE000  }
0x1b: {  	[hbm4b:s29+s3] =	stream.linear.scatter [tilespmem:s12], [sflag:$0x3], $0x2000, $0x38;
	[tilespmem:$0xA200] =	vst v63  }
0x1c: {  	_ =	swait.ge [sflag:s10], $0x2000  }
0x1d: {  	[sflag:s10] =	ssyncset.done $0x0  }
0x1e: {  	s30 =	simm.s32 $0x100;
	[sflag:s10] =	ssyncadd.s32 $0xFFFFE000  }
0x1f: {  	[tilespmem:s12], [sflag:$0x1] =	stream.indirect.gather [hbm4b:s2+s11], $0x40, s30, s11, $0xb8;
	[tilespmem:$0xA200] =	vst v63  }
0x20: {  	_ =	swait.ge [sflag:s15], $0x2000  }
0x21: {  	[sflag:s15] =	ssyncset.done $0x0  }
0x22: {  	s31 =	sadd.s32 $0x0, s9;
	[sflag:s15] =	ssyncadd.s32 $0xFFFFE000  }
0x23: {  	[hbm4b:s31+s3] =	stream.linear.scatter [tilespmem:s13], [sflag:$0x3], $0x2000, $0x38;
	[tilespmem:$0xA200] =	vst v63  }
0x24: {  	s20 =	simm.s32 $0x1000;
	_ =	swait.ge [sflag:s10], $0x2000  }
0x25: {  	s19 =	simm.s32 $0x200;
	s18 =	simm.s32 $0x800;
	[sflag:s10] =	ssyncset.done $0x0  }
.LBB2_2:
0x26: {  	p0 =	sne.s32 s20, $0x30000;
	s21 =	sadd.s32 $0xFFFFFF80, s19;
	[sflag:s10] =	ssyncadd.s32 $0xFFFFE000  }
0x27: {  	[tilespmem:s13], [sflag:$0x2] =	stream.indirect.gather [hbm4b:s2+s11], $0x40, s21, s11, $0xb8;
	[tilespmem:$0xA200] =	vst v63  }
0x28: {  	s21 =	smov.u32 s20;
	s20 =	sadd.s32 $0x800, s20;
	_ =	swait.ge [sflag:s14], $0x2000  }
0x29: {  	[sflag:s14] =	ssyncset.done $0x0  }
0x2a: {  	s22 =	sadd.s32 s18, s8;
	[sflag:s14] =	ssyncadd.s32 $0xFFFFE000  }
0x2b: {  	[hbm4b:s22+s3] =	stream.linear.scatter [tilespmem:s12], [sflag:$0x3], $0x2000, $0x38;
	[tilespmem:$0xA200] =	vst v63  }
0x2c: {  	_ =	swait.ge [sflag:s10], $0x2000  }
0x2d: {  	[sflag:s10] =	ssyncset.done $0x0  }
0x2e: {  	[sflag:s10] =	ssyncadd.s32 $0xFFFFE000  }
0x2f: {  	[tilespmem:s12], [sflag:$0x1] =	stream.indirect.gather [hbm4b:s2+s11], $0x40, s19, s11, $0xb8;
	[tilespmem:$0xA200] =	vst v63  }
0x30: {  	_ =	swait.ge [sflag:s15], $0x2000  }
.Ltmp0:
0x31: {  	[sflag:s15] =	ssyncset.done $0x0;
	(pc) =	sbr.rel @p0 .LBB2_2-.Ltmp0, $4  }
0x32: {  	s22 =	sadd.s32 s18, s9;
	s18 =	smov.u32 s21;
	[sflag:s15] =	ssyncadd.s32 $0xFFFFE000  }
0x33: {  	[hbm4b:s22+s3] =	stream.linear.scatter [tilespmem:s13], [sflag:$0x3], $0x2000, $0x38;
	[tilespmem:$0xA200] =	vst v63  }
0x34: {  	_ =	swait.ge [sflag:s10], $0x2000  }
0x35: {  	s19 =	sadd.s32 $0x100, s19;
	[sflag:s10] =	ssyncset.done $0x0  }
0x36: {  	s20 =	sadd.s32 $0xFFFFFF80, s19;
	[sflag:s10] =	ssyncadd.s32 $0xFFFFE000  }
0x37: {  	[tilespmem:s13], [sflag:$0x2] =	stream.indirect.gather [hbm4b:s2+s11], $0x40, s20, s11, $0xb8;
	[tilespmem:$0xA200] =	vst v63  }
0x38: {  	_ =	swait.ge [sflag:s14], $0x2000  }
0x39: {  	[sflag:s14] =	ssyncset.done $0x0  }
0x3a: {  	s30 =	sadd.s32 s18, s8;
	[sflag:s14] =	ssyncadd.s32 $0xFFFFE000  }
0x3b: {  	[hbm4b:s30+s3] =	stream.linear.scatter [tilespmem:s12], [sflag:$0x3], $0x2000, $0x38;
	[tilespmem:$0xA200] =	vst v63  }
0x3c: {  	_ =	swait.ge [sflag:s10], $0x2000  }
0x3d: {  	[sflag:s10] =	ssyncset.done $0x0  }
0x3e: {  	[sflag:s10] =	ssyncadd.s32 $0xFFFFE000  }
0x3f: {  	[tilespmem:s12], [sflag:$0x1] =	stream.indirect.gather [hbm4b:s2+s11], $0x40, s19, s11, $0xb8;
	[tilespmem:$0xA200] =	vst v63  }
0x40: {  	_ =	swait.ge [sflag:s15], $0x2000  }
0x41: {  	[sflag:s15] =	ssyncset.done $0x0  }
0x42: {  	s31 =	sadd.s32 s18, s9;
	[sflag:s15] =	ssyncadd.s32 $0xFFFFE000  }
0x43: {  	[hbm4b:s31+s3] =	stream.linear.scatter [tilespmem:s13], [sflag:$0x3], $0x2000, $0x38;
	[tilespmem:$0xA200] =	vst v63  }
0x44: {  	_ =	swait.ge [sflag:s10], $0x2000  }
0x45: {  	[sflag:s10] =	ssyncset.done $0x0  }
0x46: {  	[sflag:s10] =	ssyncadd.s32 $0xFFFFE000  }
0x47: {  	[tilespmem:s13], [sflag:$0x2] =	stream.indirect.gather [hbm4b:s2+s11], $0x40, s16, s11, $0xb8;
	[tilespmem:$0xA200] =	vst v63  }
0x48: {  	_ =	swait.ge [sflag:s14], $0x2000  }
0x49: {  	[sflag:s14] =	ssyncset.done $0x0  }
0x4a: {  	[sflag:s14] =	ssyncadd.s32 $0xFFFFE000  }
0x4b: {  	[hbm4b:s6+s3] =	stream.linear.scatter [tilespmem:s12], [sflag:$0x3], $0x2000, $0x38;
	[tilespmem:$0xA200] =	vst v63  }
0x4c: {  	_ =	swait.ge [sflag:s10], $0x2000  }
0x4d: {  	[sflag:s10] =	ssyncset.done $0x0  }
0x4e: {  	[sflag:s10] =	ssyncadd.s32 $0xFFFFE000  }
0x4f: {  	s17 =	sadd.s32 $0x1, s17;
	_ =	swait.ge [sflag:s15], $0x2000  }
0x50: {  	p0 =	sne.s32 s17, s5;
	[sflag:s15] =	ssyncset.done $0x0  }
.Ltmp1:
0x51: {  	[sflag:s15] =	ssyncadd.s32 $0xFFFFE000;
	(pc) =	sbr.rel @p0 .LBB2_1-.Ltmp1, $4  }
0x52: {  	[hbm4b:s7+s3] =	stream.linear.scatter [tilespmem:s13], [sflag:$0x3], $0x2000, $0x38;
	[tilespmem:$0xA200] =	vst v63  }
0x53: {  	_ =	swait.ge [sflag:s10], $0x2000  }
0x54: {  	[sflag:s10] =	ssyncset.done $0x0  }
0x55: {  	[sflag:s10] =	ssyncadd.s32 $0xFFFFE000  }
0x56: {  	_ =	sfence.sel $0x180000  }
0x57: {  	[bflag:$0x0] =	sbarrier.arrive $0xFFFF  }
0x58: {  	p0 =	sne.s32 s0, $0x0;
	_ =	strace $0x9000004A  }
0x59: {  	s0 =	sadd.s32 @!p0 $0x100000, s1;
	[bflag:$0x2] =	sbarrier.arrive $0xFFFF  }
0x5a: {  	[sflag:s0] =	ssyncadd.tile.s32 @!p0 $0x1;
	_ =	shalt  }
.Lfunc_end2:
_tile_overlayer_lowered:
.L_overlay_start_2:
0x5b: {  	(tag) =	ssettag $0x2  }
0x5c: {  	s0 =	rddreg [dreg:$0x0];
	s2 =	stileid.u32  }
0x5d: {  	s1 =	rddreg [dreg:$0x1];
	p0 =	sne.s32 s2, $0x0  }
0x5e: {  	s3 =	rddreg [dreg:$0x2];
	[bflag:$0x3] =	sbarrier.arrive $0xFFFF;
	s2 =	simm.s32 @!p0 $0x1C03  }
0x5f: {  	[timem:s3], [sflag:s2] =	dma.local @!p0 [hbm:s0], s1  }
0x60: {  	s0 =	simm.s32 @!p0 $0x3  }
0x61: {  	_ =	swait.ge @!p0 [sflag:s0], s1  }
0x62: {  	s1 =	ssub.s32 @!p0 $0x0, s1;
	[sflag:s0] =	ssyncset.done @!p0 $0x0  }
0x63: {  	[sflag:s0] =	ssyncadd.s32 @!p0 s1  }
0x64: {  	[bflag:$0x3] =	sbarrier.arrive $0xFFFF  }
0x65: {  	_ =	shalt  }

// kernel: kernel.21.cloned.1.call-start
scs
__scs_entry_jumppad:
0x0: {  	(pc) =	sbr.rel $0x88, $3  }
0x1: {  	(tag) =	ssettag $0x0;
	lr =	simm.s32 $0x1  }
0x2: {  	[smem:$0x3F96] =	sst lr;
	_ =	strace $0xD0000000  }
0x3: {  	_ = 	snop  }
0x4: {  	_ = 	snop  }
0x5: {  	_ = 	snop  }
0x6: {  	_ = 	snop  }
0x7: {  	_ = 	snop  }
__scs_overlays_trampoline_lowered:
0x8: {  	[smem:$0x3FA5] =	sst s0  }
0x9: {  	[smem:$0x3FA6] =	sst s1  }
0xa: {  	[smem:$0x3FA7] =	sst s2  }
0xb: {  	[smem:$0x3FA8] =	sst s3  }
0xc: {  	[smem:$0x3FA9] =	sst s4  }
0xd: {  	[smem:$0x3FAA] =	sst s5  }
0xe: {  	[smem:$0x3FAB] =	sst s6  }
0xf: {  	[smem:$0x3FAC] =	sst s7  }
0x10: {  	[smem:$0x3FAD] =	sst s8  }
0x11: {  	[smem:$0x3FAE] =	sst s9;
	s0 =	simm.s32 @!p0 $0x0  }
0x12: {  	s1 =	sld [smem:$0x3F94];
	s0 =	simm.s32 @p0 $0x1  }
0x13: {  	[smem:$0x3FAF] =	sst s0;
	s0 =	simm.s32 @!p1 $0x0  }
0x14: {  	s2 =	sld [smem:$0x3F93];
	s0 =	simm.s32 @p1 $0x1  }
0x15: {  	[smem:$0x3FB0] =	sst s0;
	s0 =	simm.s32 @!p2 $0x0  }
0x16: {  	s3 =	sld [smem:$0x3FDB];
	s0 =	simm.s32 @p2 $0x1  }
0x17: {  	s4 =	simm.s32 $0x1BF5;
	[smem:$0x3FB2] =	sst s0  }
0x18: {  	s0 =	sld [smem:$0x3F95];
	_ =	swait.ge [sflag:s4], $0x0  }
0x19: {  	s7 =	sld [smem:$0x3F96]  }
0x1a: {  	s8 =	sadd.s32 $0xFFFFE003, lr  }
0x1b: {  	s9 =	sadd.s32 $0xFFFFFEF7, lr;
	s5 =	simm.s32 $0xFFFFFFFF;
	p2 =	slt.u32 s8, $0xFFFFF086  }
0x1c: {  	p1 =	slt.u32 s9, $0xF7A;
	s5 =	simm.s32 @!p2 $0x0  }
0x1d: {  	s5 =	simm.s32 @p1 $0x1;
	p0 =	seq.s32 s7, s2  }
0x1e: {  	s7 =	smul.u32 @!p0 $0xF7A, s2;
	p2 =	seq.s32 @!p0 s5, $0x0  }
0x1f: {  	s9 =	smul.u32 $0xF7A, s1;
	s8 =	simm.s32 @!p0 $0x1BF5;
	p2 =	por !p2, p0  }
0x20: {  	[sflag:s8] =	ssyncset.s32 @!p0 $0xFFFFF086;
	s6 =	sadd.s32 @!p0 s3, s7;
	s7 =	simm.s32 @!p0 $0x108  }
0x21: {  	s3 =	sadd.s32 s3, s9;
	s6 =	sadd.s32 @!p0 $0x88, s6;
	s7 =	simm.s32 @p2 $0x1082  }
0x22: {  	[simem:s7], [sflag:s8] =	dma.local @!p0 [hbm:s6], $0xF7A  }
0x23: {  	s9 =	sor.u32 $0xD0000000, s2;
	s6 =	simm.s32 $0x108;
	_ =	swait.ge @!p0 [sflag:s8], $0x0  }
0x24: {  	s3 =	sadd.s32 $0x88, s3;
	s6 =	simm.s32 @!p1 $0x1082;
	[sflag:s4] =	ssyncset.s32 $0xFFFFF086  }
0x25: {  	[simem:s6], [sflag:s4] =	dma.local [hbm:s3], $0xF7A  }
0x26: {  	[smem:$0x3F96] =	sst s1;
	(tag) =	ssettag s2;
	_ =	strace s9  }
0x27: {  	s1 =	sld [smem:$0x3FA6]  }
0x28: {  	s2 =	sld [smem:$0x3FA7]  }
0x29: {  	s4 =	sld [smem:$0x3FA9]  }
0x2a: {  	p0 =	seq.s32 s5, $0x0;
	s5 =	sld [smem:$0x3FAA]  }
0x2b: {  	s6 =	sld [smem:$0x3FAB]  }
0x2c: {  	s7 =	sld [smem:$0x3FAC]  }
0x2d: {  	s3 =	simm.s32 $0x108;
	s8 =	sld [smem:$0x3FAD]  }
0x2e: {  	s3 =	simm.s32 @!p0 $0x1082;
	s9 =	sld [smem:$0x3FAE]  }
0x2f: {  	lr =	sadd.s32 s0, s3;
	s0 =	sld [smem:$0x3FA5]  }
0x30: {  	s3 =	sld [smem:$0x3FA8]  }
0x31: {  	[smem:$0x3FB1] =	sst s10  }
0x32: {  	s10 =	sld [smem:$0x3FAF];
	_ =	sdelay $0x3  }
0x33: {  	p0 =	seq.s32 s10, $0x1;
	s10 =	sld [smem:$0x3FB1];
	_ =	sdelay $0x3  }
0x34: {  	[smem:$0x3FB1] =	sst s10  }
0x35: {  	s10 =	sld [smem:$0x3FB0];
	_ =	sdelay $0x3  }
0x36: {  	p1 =	seq.s32 s10, $0x1;
	s10 =	sld [smem:$0x3FB1];
	_ =	sdelay $0x3  }
0x37: {  	[smem:$0x3FB1] =	sst s10  }
0x38: {  	s10 =	sld [smem:$0x3FB2]  }
0x39: {  	_ = 	snop;
	(pc) =	sbr.ind lr, $3  }
0x3a: {  	_ = 	snop  }
0x3b: {  	_ = 	snop  }
0x3c: {  	p2 =	seq.s32 s10, $0x1;
	s10 =	sld [smem:$0x3FB1]  }
0x3d: {  	_ =	shalt  }
0x3e: {  	_ =	shalt  }
0x3f: {  	_ =	shalt  }
0x40: {  	_ =	shalt  }
0x41: {  	_ =	shalt  }
0x42: {  	_ =	shalt  }
0x43: {  	_ =	shalt  }
0x44: {  	_ =	shalt  }
0x45: {  	_ =	shalt  }
0x46: {  	_ =	shalt  }
0x47: {  	_ =	shalt  }
0x48: {  	_ =	shalt  }
0x49: {  	_ =	shalt  }
0x4a: {  	_ =	shalt  }
0x4b: {  	_ =	shalt  }
0x4c: {  	_ =	shalt  }
0x4d: {  	_ =	shalt  }
0x4e: {  	_ =	shalt  }
0x4f: {  	_ =	shalt  }
0x50: {  	_ =	shalt  }
0x51: {  	_ =	shalt  }
0x52: {  	_ =	shalt  }
0x53: {  	_ =	shalt  }
0x54: {  	_ =	shalt  }
0x55: {  	_ =	shalt  }
0x56: {  	_ =	shalt  }
0x57: {  	_ =	shalt  }
0x58: {  	_ =	shalt  }
0x59: {  	_ =	shalt  }
0x5a: {  	_ =	shalt  }
0x5b: {  	_ =	shalt  }
0x5c: {  	_ =	shalt  }
0x5d: {  	_ =	shalt  }
0x5e: {  	_ =	shalt  }
0x5f: {  	_ =	shalt  }
0x60: {  	_ =	shalt  }
0x61: {  	_ =	shalt  }
0x62: {  	_ =	shalt  }
0x63: {  	_ =	shalt  }
0x64: {  	_ =	shalt  }
0x65: {  	_ =	shalt  }
0x66: {  	_ =	shalt  }
0x67: {  	_ =	shalt  }
0x68: {  	_ =	shalt  }
0x69: {  	_ =	shalt  }
0x6a: {  	_ =	shalt  }
0x6b: {  	_ =	shalt  }
0x6c: {  	_ =	shalt  }
0x6d: {  	_ =	shalt  }
0x6e: {  	_ =	shalt  }
0x6f: {  	_ =	shalt  }
0x70: {  	_ =	shalt  }
0x71: {  	_ =	shalt  }
0x72: {  	_ =	shalt  }
0x73: {  	_ =	shalt  }
0x74: {  	_ =	shalt  }
0x75: {  	_ =	shalt  }
0x76: {  	_ =	shalt  }
0x77: {  	_ =	shalt  }
0x78: {  	_ =	shalt  }
0x79: {  	_ =	shalt  }
0x7a: {  	_ =	shalt  }
0x7b: {  	_ =	shalt  }
0x7c: {  	_ =	shalt  }
0x7d: {  	_ =	shalt  }
0x7e: {  	_ =	shalt  }
0x7f: {  	_ =	shalt  }
0x80: {  	_ =	shalt  }
0x81: {  	_ =	shalt  }
0x82: {  	_ =	shalt  }
0x83: {  	_ =	shalt  }
0x84: {  	_ =	shalt  }
0x85: {  	_ =	shalt  }
0x86: {  	_ =	shalt  }
0x87: {  	_ =	shalt  }
.Lfunc_end0:
.L_simem_size_0:
called_computation.2_lowered:
.L_overlay_start_0:
0x88: {  	s2 =	sld [smem:$0x3FD9]  }
0x89: {  	s3 =	sld [smem:$0x3FFE];
	_ =	sdelay $0x1  }
0x8a: {  	s1 =	srdreg.scid  }
0x8b: {  	s0 =	sand.u32 $0x1, s1  }
0x8c: {  	s17 =	sshll.u32 s0, $0xA;
	s2 =	sadd.s32 s3, s2  }
0x8d: {  	s2 =	sadd.s32 s2, s17  }
0x8e: {  	[smem:$0x3FBD] =	sst s2  }
0x8f: {  	_ = 	snop  }
0x90: {  	s2 =	sld [smem:$0x3FD0];
	(tm) =	ssettm $0x1  }
0x91: {  	s18 =	sld [smem:$0x3FFB];
	_ =	sdelay $0x3  }
0x92: {  	_ =	strace s18  }
0x93: {  	s3 =	sld [smem:$0x3FFC];
	_ =	sdelay $0x3  }
0x94: {  	_ =	strace s3  }
0x95: {  	s3 =	sld [smem:$0x3FFD];
	_ =	sdelay $0x3  }
0x96: {  	_ =	strace s3  }
0x97: {  	_ =	strace $0x8FFFFFFF  }
0x98: {  	s19 =	sld [smem:$0x3FDB];
	_ =	sdelay $0x1  }
0x99: {  	s4 =	simm.s32 $_scs_section_size  }
0x9a: {  	s5 =	simm.s32 $_size__tile_overlayer_lowered;
	s6 =	simm.s32 $_tile_overlayer_lowered  }
0x9b: {  	s22 =	simm.s32 $0x1BFF;
	s21 =	sshll.u32 s6, $0x1;
	s3 =	sadd.s32 s4, s19  }
0x9c: {  	s7 =	simm.s32 $0x0;
	s20 =	sshll.u32 s5, $0x1;
	s5 =	sadd.s32 s21, s3  }
0x9d: {  	[timem:s7], [sflag:s22] =	dma.local [hbm:s5], s20  }
0x9e: {  	_ =	swait.ge [sflag:s22], s20  }
0x9f: {  	s4 =	ssub.s32 $0x0, s20;
	[sflag:s22] =	ssyncset.done $0x0  }
0xa0: {  	[sflag:s22] =	ssyncadd.s32 s4;
	_ =	sdelay $0x1  }
0xa1: {  	s23 =	simm.s32 $0x1B8B  }
0xa2: {  	_ =	swait.ge [sflag:s23], $0x1  }
0xa3: {  	[sflag:s23] =	ssyncset.done $0x0  }
0xa4: {  	s25 =	simm.s32 $0x1B8E;
	s24 =	sld [smem:$0x3FFE];
	[sflag:s23] =	ssyncadd.s32 $0xFFFFFFFF  }
0xa5: {  	s26 =	simm.s32 $execute0_lowered;
	[smem:$0x3FD2] =	sst s25  }
0xa6: {  	s5 =	sshll.u32 s26, $0x1;
	_ =	strace $0x8000004C;
	[dreg:$0x1] =	wrdreg $0xFFFFFFFF  }
0xa7: {  	s28 =	simm.s32 $_size_execute0_lowered;
	s3 =	sadd.s32 s3, s5;
	[dreg:$0x0] =	wrdreg $0x0  }
0xa8: {  	s5 =	sshll.u32 s28, $0x1;
	[dreg:$0x2] =	wrdreg s3  }
0xa9: {  	[dreg:$0x3] =	wrdreg s5  }
0xaa: {  	[dreg:$0x4] =	wrdreg $0xC0  }
0xab: {  	_ =	task [dreg:s7], $0x5FFFF  }
0xac: {  	[dreg:$0x1] =	wrdreg $0xFFFFFFFF  }
0xad: {  	[dreg:$0x0] =	wrdreg $0x60  }
0xae: {  	[dreg:$0x2] =	wrdreg s2  }
0xaf: {  	[dreg:$0x3] =	wrdreg s24  }
0xb0: {  	[dreg:$0x4] =	wrdreg $0x9  }
0xb1: {  	_ =	task.clear_ibuf [dreg:s7], $0x5FFFF;
	_ =	strace $0x9000004C  }
0xb2: {  	s29 =	simm.s32 $0x9;
	_ =	strace $0x8000004E  }
0xb3: {  	_ =	swait.ge [sflag:s29], $0x1  }
0xb4: {  	[sflag:s29] =	ssyncadd.s32 $0xFFFFFFFF  }
0xb5: {  	_ =	strace $0x9000004E  }
0xb6: {  	_ =	sfence  }
0xb7: {  	s30 =	sld [smem:$0x0];
	_ =	sdelay $0x2  }
0xb8: {  	s31 =	sshll.u32 s1, $0xD;
	s1 =	sshrl.u32 s1, $0x2  }
0xb9: {  	s3 =	sand.u32 $0x4000, s31;
	s1 =	sadd.s32 s1, s30  }
0xba: {  	s0 =	sor.u32 s3, s0;
	s1 =	sshll.u32 s1, $0x11  }
0xbb: {  	s0 =	sor.u32 s1, s0  }
0xbc: {  	s0 =	sadd.s32 $0x8F2B, s0  }
0xbd: {  	[sflag:s0] =	ssyncadd.remote.s32 $0x1  }
0xbe: {  	_ =	sfence.sel $0xFFFF  }
0xbf: {  	[dreg:$0x0] =	wrdreg $0xFFFFFFFF;
	(pc) =	sbr.abs _section_cstart, $3  }
0xc0: {  	[dreg:$0x1] =	wrdreg $0xFFFFFFFF  }
0xc1: {  	_ =	task.clear_ibuf [dreg:s7], $0x2FFFF;
	_ =	strace $0x9FFFFFFF  }
0xc2: {  	(tm) =	ssettm $0x7FFFFFFF  }
0xc3: {  	_ =	shalt  }
tec
execute0_lowered:
.L_overlay_start_1:
0x0: {  	(tag) =	ssettag $0x1  }
0x1: {  	s2 =	rddreg [dreg:$0x0];
	s1 =	srdreg.scid  }
0x2: {  	s0 =	stileid.u32;
	s4 =	rddreg [dreg:$0x1]  }
0x3: {  	s3 =	simm.s32 $0x0;
	s14 =	simm.s32 $0x1;
	s10 =	smul.u32 $0x310000, s0  }
0x4: {  	s15 =	simm.s32 $0x2;
	s5 =	sand.u32 $0x1, s1;
	s25 =	smul.u32 $0xC400, s0  }
0x5: {  	s16 =	simm.s32 $0x6180;
	s6 =	sshll.u32 s0, $0x1;
	s12 =	smul.u32 $0x188000, s5  }
0x6: {  	s1 =	rddreg [dreg:$0x2];
	s6 =	sor.u32 s5, s6;
	s28 =	smul.u32 $0x6200, s5  }
0x7: {  	s17 =	simm.s32 $0x0;
	[smem:$0x7FF] =	sst s3;
	s7 =	smul.u32 $0x6200, s6  }
0x8: {  	s13 =	sadd.s32 $0x311C00, s4;
	s9 =	ssub.s32 $0x2, s5;
	s8 =	smul.u32 $0x188000, s6  }
0x9: {  	_ =	strace $0x8000004D;
	s11 =	sshrl.u32 s9, $0x1;
	s29 =	smul.u32 $0x31000, s6  }
0xa: {  	s9 =	ssub.s32 s9, s11;
	s30 =	sadd.s32 s12, s10;
	s12 =	simm.s32 $0x6200  }
0xb: {  	s7 =	sshrl.u32 s7, $0x3;
	s26 =	sshrl.u32 s8, $0x3;
	s5 =	smax.u32 s9, $0x1  }
0xc: {  	s8 =	sadd.s32 s28, s25;
	s9 =	sadd.s32 s13, s29;
	s10 =	sshrl.u32 s30, $0x3  }
0xd: {  	s7 =	sadd.s32 s7, s4;
	s11 =	sshll.u32 s8, $0x3;
	s8 =	sadd.s32 s10, s13  }
0xe: {  	s10 =	simm.s32 $0x3;
	s4 =	sadd.s32 $0x4400, s7;
	s7 =	sadd.s32 s13, s26  }
0xf: {  	s31 =	sadd.s32 s11, s13;
	s11 =	simm.s32 $0x80;
	s13 =	simm.s32 $0x8200  }
0x10: {  	s6 =	sadd.s32 $0x30800, s7;
	s7 =	sadd.s32 $0x30C00, s9;
	s9 =	sadd.s32 $0x400, s31  }
.LBB2_1:
0x11: {  	[tilespmem:s3], [sflag:$0x3] =	stream.linear.gather [hbm4b:s4+s3], $0x6200, $0x38;
	[tilespmem:$0xA200] =	vst v63  }
0x12: {  	_ =	swait.ge [sflag:s10], $0x6200  }
0x13: {  	[sflag:s10] =	ssyncset.done $0x0  }
0x14: {  	[sflag:s10] =	ssyncadd.s32 $0xFFFF9E00  }
0x15: {  	[tilespmem:s12], [sflag:$0x1] =	stream.indirect.gather [hbm4b:s2+s11], $0x40, s3, s11, $0xb8;
	[tilespmem:$0xA200] =	vst v63  }
0x16: {  	s18 =	simm.s32 $0x80  }
0x17: {  	[tilespmem:s13], [sflag:$0x2] =	stream.indirect.gather [hbm4b:s2+s11], $0x40, s18, s11, $0xb8;
	[tilespmem:$0xA200] =	vst v63  }
0x18: {  	_ =	swait.ge [sflag:s14], $0x2000  }
0x19: {  	[sflag:s14] =	ssyncset.done $0x0  }
0x1a: {  	s29 =	sadd.s32 $0x0, s8;
	[sflag:s14] =	ssyncadd.s32 $0xFFFFE000  }
0x1b: {  	[hbm4b:s29+s3] =	stream.linear.scatter [tilespmem:s12], [sflag:$0x3], $0x2000, $0x38;
	[tilespmem:$0xA200] =	vst v63  }
0x1c: {  	_ =	swait.ge [sflag:s10], $0x2000  }
0x1d: {  	[sflag:s10] =	ssyncset.done $0x0  }
0x1e: {  	s30 =	simm.s32 $0x100;
	[sflag:s10] =	ssyncadd.s32 $0xFFFFE000  }
0x1f: {  	[tilespmem:s12], [sflag:$0x1] =	stream.indirect.gather [hbm4b:s2+s11], $0x40, s30, s11, $0xb8;
	[tilespmem:$0xA200] =	vst v63  }
0x20: {  	_ =	swait.ge [sflag:s15], $0x2000  }
0x21: {  	[sflag:s15] =	ssyncset.done $0x0  }
0x22: {  	s31 =	sadd.s32 $0x0, s9;
	[sflag:s15] =	ssyncadd.s32 $0xFFFFE000  }
0x23: {  	[hbm4b:s31+s3] =	stream.linear.scatter [tilespmem:s13], [sflag:$0x3], $0x2000, $0x38;
	[tilespmem:$0xA200] =	vst v63  }
0x24: {  	s20 =	simm.s32 $0x1000;
	_ =	swait.ge [sflag:s10], $0x2000  }
0x25: {  	s19 =	simm.s32 $0x200;
	s18 =	simm.s32 $0x800;
	[sflag:s10] =	ssyncset.done $0x0  }
.LBB2_2:
0x26: {  	p0 =	sne.s32 s20, $0x30000;
	s21 =	sadd.s32 $0xFFFFFF80, s19;
	[sflag:s10] =	ssyncadd.s32 $0xFFFFE000  }
0x27: {  	[tilespmem:s13], [sflag:$0x2] =	stream.indirect.gather [hbm4b:s2+s11], $0x40, s21, s11, $0xb8;
	[tilespmem:$0xA200] =	vst v63  }
0x28: {  	s21 =	smov.u32 s20;
	s20 =	sadd.s32 $0x800, s20;
	_ =	swait.ge [sflag:s14], $0x2000  }
0x29: {  	[sflag:s14] =	ssyncset.done $0x0  }
0x2a: {  	s22 =	sadd.s32 s18, s8;
	[sflag:s14] =	ssyncadd.s32 $0xFFFFE000  }
0x2b: {  	[hbm4b:s22+s3] =	stream.linear.scatter [tilespmem:s12], [sflag:$0x3], $0x2000, $0x38;
	[tilespmem:$0xA200] =	vst v63  }
0x2c: {  	_ =	swait.ge [sflag:s10], $0x2000  }
0x2d: {  	[sflag:s10] =	ssyncset.done $0x0  }
0x2e: {  	[sflag:s10] =	ssyncadd.s32 $0xFFFFE000  }
0x2f: {  	[tilespmem:s12], [sflag:$0x1] =	stream.indirect.gather [hbm4b:s2+s11], $0x40, s19, s11, $0xb8;
	[tilespmem:$0xA200] =	vst v63  }
0x30: {  	_ =	swait.ge [sflag:s15], $0x2000  }
.Ltmp0:
0x31: {  	[sflag:s15] =	ssyncset.done $0x0;
	(pc) =	sbr.rel @p0 .LBB2_2-.Ltmp0, $4  }
0x32: {  	s22 =	sadd.s32 s18, s9;
	s18 =	smov.u32 s21;
	[sflag:s15] =	ssyncadd.s32 $0xFFFFE000  }
0x33: {  	[hbm4b:s22+s3] =	stream.linear.scatter [tilespmem:s13], [sflag:$0x3], $0x2000, $0x38;
	[tilespmem:$0xA200] =	vst v63  }
0x34: {  	_ =	swait.ge [sflag:s10], $0x2000  }
0x35: {  	s19 =	sadd.s32 $0x100, s19;
	[sflag:s10] =	ssyncset.done $0x0  }
0x36: {  	s20 =	sadd.s32 $0xFFFFFF80, s19;
	[sflag:s10] =	ssyncadd.s32 $0xFFFFE000  }
0x37: {  	[tilespmem:s13], [sflag:$0x2] =	stream.indirect.gather [hbm4b:s2+s11], $0x40, s20, s11, $0xb8;
	[tilespmem:$0xA200] =	vst v63  }
0x38: {  	_ =	swait.ge [sflag:s14], $0x2000  }
0x39: {  	[sflag:s14] =	ssyncset.done $0x0  }
0x3a: {  	s30 =	sadd.s32 s18, s8;
	[sflag:s14] =	ssyncadd.s32 $0xFFFFE000  }
0x3b: {  	[hbm4b:s30+s3] =	stream.linear.scatter [tilespmem:s12], [sflag:$0x3], $0x2000, $0x38;
	[tilespmem:$0xA200] =	vst v63  }
0x3c: {  	_ =	swait.ge [sflag:s10], $0x2000  }
0x3d: {  	[sflag:s10] =	ssyncset.done $0x0  }
0x3e: {  	[sflag:s10] =	ssyncadd.s32 $0xFFFFE000  }
0x3f: {  	[tilespmem:s12], [sflag:$0x1] =	stream.indirect.gather [hbm4b:s2+s11], $0x40, s19, s11, $0xb8;
	[tilespmem:$0xA200] =	vst v63  }
0x40: {  	_ =	swait.ge [sflag:s15], $0x2000  }
0x41: {  	[sflag:s15] =	ssyncset.done $0x0  }
0x42: {  	s31 =	sadd.s32 s18, s9;
	[sflag:s15] =	ssyncadd.s32 $0xFFFFE000  }
0x43: {  	[hbm4b:s31+s3] =	stream.linear.scatter [tilespmem:s13], [sflag:$0x3], $0x2000, $0x38;
	[tilespmem:$0xA200] =	vst v63  }
0x44: {  	_ =	swait.ge [sflag:s10], $0x2000  }
0x45: {  	[sflag:s10] =	ssyncset.done $0x0  }
0x46: {  	[sflag:s10] =	ssyncadd.s32 $0xFFFFE000  }
0x47: {  	[tilespmem:s13], [sflag:$0x2] =	stream.indirect.gather [hbm4b:s2+s11], $0x40, s16, s11, $0xb8;
	[tilespmem:$0xA200] =	vst v63  }
0x48: {  	_ =	swait.ge [sflag:s14], $0x2000  }
0x49: {  	[sflag:s14] =	ssyncset.done $0x0  }
0x4a: {  	[sflag:s14] =	ssyncadd.s32 $0xFFFFE000  }
0x4b: {  	[hbm4b:s6+s3] =	stream.linear.scatter [tilespmem:s12], [sflag:$0x3], $0x2000, $0x38;
	[tilespmem:$0xA200] =	vst v63  }
0x4c: {  	_ =	swait.ge [sflag:s10], $0x2000  }
0x4d: {  	[sflag:s10] =	ssyncset.done $0x0  }
0x4e: {  	[sflag:s10] =	ssyncadd.s32 $0xFFFFE000  }
0x4f: {  	s17 =	sadd.s32 $0x1, s17;
	_ =	swait.ge [sflag:s15], $0x2000  }
0x50: {  	p0 =	sne.s32 s17, s5;
	[sflag:s15] =	ssyncset.done $0x0  }
.Ltmp1:
0x51: {  	[sflag:s15] =	ssyncadd.s32 $0xFFFFE000;
	(pc) =	sbr.rel @p0 .LBB2_1-.Ltmp1, $4  }
0x52: {  	[hbm4b:s7+s3] =	stream.linear.scatter [tilespmem:s13], [sflag:$0x3], $0x2000, $0x38;
	[tilespmem:$0xA200] =	vst v63  }
0x53: {  	_ =	swait.ge [sflag:s10], $0x2000  }
0x54: {  	[sflag:s10] =	ssyncset.done $0x0  }
0x55: {  	[sflag:s10] =	ssyncadd.s32 $0xFFFFE000  }
0x56: {  	_ =	sfence.sel $0x180000  }
0x57: {  	[bflag:$0x0] =	sbarrier.arrive $0xFFFF  }
0x58: {  	p0 =	sne.s32 s0, $0x0;
	_ =	strace $0x9000004D  }
0x59: {  	s0 =	sadd.s32 @!p0 $0x100000, s1;
	[bflag:$0x2] =	sbarrier.arrive $0xFFFF  }
0x5a: {  	[sflag:s0] =	ssyncadd.tile.s32 @!p0 $0x1;
	_ =	shalt  }
.Lfunc_end2:
_tile_overlayer_lowered:
.L_overlay_start_2:
0x5b: {  	(tag) =	ssettag $0x2  }
0x5c: {  	s0 =	rddreg [dreg:$0x0];
	s2 =	stileid.u32  }
0x5d: {  	s1 =	rddreg [dreg:$0x1];
	p0 =	sne.s32 s2, $0x0  }
0x5e: {  	s3 =	rddreg [dreg:$0x2];
	[bflag:$0x3] =	sbarrier.arrive $0xFFFF;
	s2 =	simm.s32 @!p0 $0x1C03  }
0x5f: {  	[timem:s3], [sflag:s2] =	dma.local @!p0 [hbm:s0], s1  }
0x60: {  	s0 =	simm.s32 @!p0 $0x3  }
0x61: {  	_ =	swait.ge @!p0 [sflag:s0], s1  }
0x62: {  	s1 =	ssub.s32 @!p0 $0x0, s1;
	[sflag:s0] =	ssyncset.done @!p0 $0x0  }
0x63: {  	[sflag:s0] =	ssyncadd.s32 @!p0 s1  }
0x64: {  	[bflag:$0x3] =	sbarrier.arrive $0xFFFF  }
0x65: {  	_ =	shalt  }

</sc_bundles>
